<compile_context>
chip_gen: v7x
topology: tpu7x:2x2x1
jax: 0.10.2.dev20260603
libtpu: 0.0.44.dev20260713+nightly
codegen_flags: <defaults>
</compile_context>

<pallas_src>
import jax
import jax.numpy as jnp
import numpy as np
from jax import lax
from jax.experimental import pallas as pl
from jax.experimental.pallas import tpu as pltpu
from jax.experimental.pallas import tpu_sc as plsc

N_NODES = 100000
DIM = 16
N_TICKS = 51
BATCH = 16384
NC = 2
NS = 16
NW = NC * NS
BPW = BATCH // NW
NG = BPW // 16
NROW = 32
TSTRIDE = DIM * N_NODES
STEP = np.float32(1.0 / (N_TICKS - 1))


def _body(flat, bias16, src2, dst2, t2, out,
          src_v, dst_v, t_v, ti_v, dt_v, idx_v, val_v, out_v, bias_v, sem):
    wid = lax.axis_index("s") * NC + lax.axis_index("c")
    base = pl.multiple_of(wid * BPW, BPW)
    pltpu.sync_copy(bias16, bias_v)
    pltpu.sync_copy(src2.at[wid], src_v)
    pltpu.sync_copy(dst2.at[wid], dst_v)
    pltpu.sync_copy(t2.at[wid], t_v)

    def precomp(i, carry):
        tv = t_v[pl.ds(i * 16, 16)]
        ti_v[pl.ds(i * 16, 16)] = jnp.minimum((tv / STEP).astype(jnp.int32),
                                              N_TICKS - 2)
        dt_v[pl.ds(i * 16, 16)] = lax.rem(tv, STEP) / STEP
        return carry

    lax.fori_loop(0, NG, precomp, 0)

    def build_issue(g):
        tiv = ti_v[pl.ds(g * 16, 16)]
        sg = src_v[pl.ds(g * 16, 16)]
        dg = dst_v[pl.ds(g * 16, 16)]
        tb0 = tiv * TSTRIDE
        tb1 = tb0 + TSTRIDE
        rb = (g & 3) * 8

        def bd(d, carry):
            row = rb + (d >> 1)
            col = (d & 1) * 64
            off = d * N_NODES
            bs = sg + off
            bdd = dg + off
            idx_v[row, pl.ds(col, 16)] = tb0 + bs
            idx_v[row, pl.ds(col + 16, 16)] = tb1 + bs
            idx_v[row, pl.ds(col + 32, 16)] = tb0 + bdd
            idx_v[row, pl.ds(col + 48, 16)] = tb1 + bdd
            return carry

        lax.fori_loop(0, DIM, bd, 0)
        for r in range(8):
            j = rb + r
            pltpu.async_copy(flat.at[idx_v.at[j]], val_v.at[j], sem)

    def drain_compute(g):
        rb = (g & 3) * 8
        for r in range(8):
            j = rb + r
            pltpu.make_async_copy(flat.at[idx_v.at[j]], val_v.at[j],
                                  sem).wait()
        dtg = dt_v[pl.ds(g * 16, 16)]

        def cd(d, acc):
            row = rb + (d >> 1)
            col = (d & 1) * 64
            scur = val_v[row, pl.ds(col, 16)]
            snxt = val_v[row, pl.ds(col + 16, 16)]
            dcur = val_v[row, pl.ds(col + 32, 16)]
            dnxt = val_v[row, pl.ds(col + 48, 16)]
            dc = scur - dcur
            dn = snxt - dnxt
            diff = dc + dtg * (dn - dc)
            return acc + diff * diff

        acc = lax.fori_loop(0, DIM, cd, jnp.zeros((16,), jnp.float32))
        out_v[pl.ds(g * 16, 16)] = bias_v[...] - acc

    build_issue(0)
    build_issue(1)

    def step(i, carry):
        build_issue(i + 2)
        drain_compute(i)
        return carry

    lax.fori_loop(0, NG - 2, step, 0)
    drain_compute(NG - 2)
    drain_compute(NG - 1)
    pltpu.sync_copy(out_v, out.at[pl.ds(base, BPW)])


def kernel(z, bias, src, dst, t):
    flat = jnp.transpose(z, (2, 1, 0)).reshape(-1)
    bias16 = jnp.broadcast_to(jnp.asarray(bias, jnp.float32), (16,))
    src2 = src.astype(jnp.int32).reshape(NW, BPW)
    dst2 = dst.astype(jnp.int32).reshape(NW, BPW)
    t2 = t.reshape(NW, BPW)
    fn = pl.kernel(
        _body,
        out_type=jax.ShapeDtypeStruct((BATCH,), jnp.float32),
        mesh=plsc.VectorSubcoreMesh(core_axis_name="c", subcore_axis_name="s"),
        compiler_params=pltpu.CompilerParams(use_tc_tiling_on_sc=False,
                                             needs_layout_passes=False,
                                             skip_device_barrier=True),
        scratch_types=[
            pltpu.VMEM((BPW,), jnp.int32),
            pltpu.VMEM((BPW,), jnp.int32),
            pltpu.VMEM((BPW,), jnp.float32),
            pltpu.VMEM((BPW,), jnp.int32),
            pltpu.VMEM((BPW,), jnp.float32),
            pltpu.VMEM((NROW, 128), jnp.int32),
            pltpu.VMEM((NROW, 128), jnp.float32),
            pltpu.VMEM((BPW,), jnp.float32),
            pltpu.VMEM((16,), jnp.float32),
            pltpu.SemaphoreType.DMA,
        ],
    )
    return fn(flat, bias16, src2, dst2, t2)

# --- scband reference (transcript-rebuilt; emitter-appended) ---
"""Pipeline reference for scband-euclidean-decoder-32469952758100 (READ-ONLY COPY).

The authoritative reference and input builder live on the scoring server;
editing this copy changes nothing except your own understanding.
"""

import jax, jax.numpy as jnp
import numpy as np

N_NODES = 100000
DIM = 16
N_TICKS = 51
BATCH = 16384


def setup_inputs(seed: int = 0) -> dict:
    key = jax.random.key(seed)
    k1, k2, k3, k4 = jax.random.split(key, 4)
    z = jax.random.normal(k1, (N_NODES, DIM, N_TICKS), dtype=jnp.float32)
    bias = jnp.asarray(2.0, dtype=jnp.float32)
    src = jax.random.randint(k2, (BATCH,), 0, N_NODES, dtype=jnp.int64 if jax.config.read('jax_enable_x64') else jnp.int32)
    dst = jax.random.randint(k3, (BATCH,), 0, N_NODES, dtype=jnp.int64 if jax.config.read('jax_enable_x64') else jnp.int32)
    t = jax.random.uniform(k4, (BATCH,), dtype=jnp.float32)
    return {"z": z, "bias": bias, "src": src, "dst": dst, "t": t}


def reference(z, bias, src, dst, t):
    # Faithful translation of CLPMDecoder.forward + EuclideanDecoder.decode
    n_ticks = z.shape[-1]
    step_len = 1.0 / (n_ticks - 1)
    time_index = jnp.floor(t / step_len).astype(jnp.int32)
    time_index = jnp.minimum(time_index, n_ticks - 2)  # torch.clip(max=n_ticks-2)
    delta_t = jnp.remainder(t, step_len).astype(jnp.float32) / step_len
    one_m_delta_t = 1.0 - delta_t
    # Advanced indexing on non-adjacent axes (node axis and tick axis):
    # src [B] and time_index [B] broadcast -> result [B, DIM] (same as torch/numpy)
    z_src_cur = z[src, :, time_index]
    z_src_next = z[src, :, time_index + 1]
    z_dst_cur = z[dst, :, time_index]
    z_dst_next = z[dst, :, time_index + 1]
    z_src = one_m_delta_t[..., None] * z_src_cur + delta_t[..., None] * z_src_next
    z_dst = one_m_delta_t[..., None] * z_dst_cur + delta_t[..., None] * z_dst_next
    z_dist = jnp.sum((z_src - z_dst) ** 2, axis=-1)
    logits = bias - z_dist
    return logits

if __name__ == "__main__":
    import jax
    _d = setup_inputs()
    print(jax.jit(kernel)(*tuple(_d.values())))

</pallas_src>

<mosaic_0001>
#map = affine_map<(d0, d1) -> (0)>
#map1 = affine_map<(d0, d1) -> (0, 0)>
module attributes {stable_mosaic.version = 14 : i64} {
  func.func @_body(%arg0: i32, %arg1: i32, %arg2: memref<81600000xf32, #tpu.memory_space<hbm>>, %arg3: memref<16xf32, #tpu.memory_space<hbm>>, %arg4: memref<32x512xi32, #tpu.memory_space<hbm>>, %arg5: memref<32x512xi32, #tpu.memory_space<hbm>>, %arg6: memref<32x512xf32, #tpu.memory_space<hbm>>, %arg7: memref<16384xf32, #tpu.memory_space<hbm>>, %arg8: memref<512xi32, #tpu.memory_space<vmem>>, %arg9: memref<512xi32, #tpu.memory_space<vmem>>, %arg10: memref<512xf32, #tpu.memory_space<vmem>>, %arg11: memref<512xi32, #tpu.memory_space<vmem>>, %arg12: memref<512xf32, #tpu.memory_space<vmem>>, %arg13: memref<32x128xi32, #tpu.memory_space<vmem>>, %arg14: memref<32x128xf32, #tpu.memory_space<vmem>>, %arg15: memref<512xf32, #tpu.memory_space<vmem>>, %arg16: memref<16xf32, #tpu.memory_space<vmem>>, %arg17: memref<!tpu.dma_semaphore, #tpu.memory_space<semaphore_mem>>) attributes {dimension_semantics = [#tpu.dimension_semantics<core_parallel>, #tpu.dimension_semantics<subcore_parallel>], iteration_bounds = array<i64: 2, 16>, scalar_prefetch = 0 : i64, scratch_operands = 10 : i64, tpu.core_type = #tpu.core_type<sc_vector_subcore>, window_params = [{transform_indices = #map}, {transform_indices = #map}, {transform_indices = #map1}, {transform_indices = #map1}, {transform_indices = #map1}, {transform_indices = #map}]} {
    %mul3A = arith.constant 2 : i32
    %mul3A_0 = arith.muli %arg1, %mul3A : i32
    %add3A = arith.addi %mul3A_0, %arg0 : i32
    %mul3A_1 = arith.constant 512 : i32
    %mul3A_2 = arith.muli %add3A, %mul3A_1 : i32
    %multiple_of3A = tpu.assume_multiple %mul3A_2, 512 : i32
    "tpu.region"() ({
      %run_scoped3A = tpu.sem_alloc : memref<!tpu.dma_semaphore, #tpu.memory_space<semaphore_mem>>
      tpu.enqueue_dma source(%arg3 : memref<16xf32, #tpu.memory_space<hbm>>) target(%arg16 : memref<16xf32, #tpu.memory_space<vmem>>) target_semaphore(%run_scoped3A : memref<!tpu.dma_semaphore, #tpu.memory_space<semaphore_mem>>)
      tpu.wait_dma2 semaphore(%run_scoped3A : memref<!tpu.dma_semaphore, #tpu.memory_space<semaphore_mem>>) src(%arg3 : memref<16xf32, #tpu.memory_space<hbm>>) dst(%arg16 : memref<16xf32, #tpu.memory_space<vmem>>)
      tpu.yield
    }) : () -> ()
    "tpu.region"() ({
      %run_scoped3A = tpu.sem_alloc : memref<!tpu.dma_semaphore, #tpu.memory_space<semaphore_mem>>
      %dma_start3A_394 = arith.constant 0 : i32
      %dma_start3A_395 = tpu.memref_slice %arg4[%add3A, %dma_start3A_394] : memref<32x512xi32, #tpu.memory_space<hbm>> -> memref<1x512xi32, #tpu.memory_space<hbm>>
      %dma_start3A_396 = tpu.memref_squeeze %dma_start3A_395 : memref<1x512xi32, #tpu.memory_space<hbm>> -> memref<512xi32, #tpu.memory_space<hbm>>
      %dma_start3A_397 = arith.constant 0 : i32
      %dma_start3A_398 = tpu.memref_slice %arg4[%add3A, %dma_start3A_397] : memref<32x512xi32, #tpu.memory_space<hbm>> -> memref<1x512xi32, #tpu.memory_space<hbm>>
      %dma_start3A_399 = tpu.memref_squeeze %dma_start3A_398 : memref<1x512xi32, #tpu.memory_space<hbm>> -> memref<512xi32, #tpu.memory_space<hbm>>
      tpu.enqueue_dma source(%dma_start3A_399 : memref<512xi32, #tpu.memory_space<hbm>>) target(%arg8 : memref<512xi32, #tpu.memory_space<vmem>>) target_semaphore(%run_scoped3A : memref<!tpu.dma_semaphore, #tpu.memory_space<semaphore_mem>>)
      %dma_wait3A_400 = arith.constant 0 : i32
      %dma_wait3A_401 = tpu.memref_slice %arg4[%add3A, %dma_wait3A_400] : memref<32x512xi32, #tpu.memory_space<hbm>> -> memref<1x512xi32, #tpu.memory_space<hbm>>
      %dma_wait3A_402 = tpu.memref_squeeze %dma_wait3A_401 : memref<1x512xi32, #tpu.memory_space<hbm>> -> memref<512xi32, #tpu.memory_space<hbm>>
      %dma_wait3A_403 = arith.constant 0 : i32
      %dma_wait3A_404 = tpu.memref_slice %arg4[%add3A, %dma_wait3A_403] : memref<32x512xi32, #tpu.memory_space<hbm>> -> memref<1x512xi32, #tpu.memory_space<hbm>>
      %dma_wait3A_405 = tpu.memref_squeeze %dma_wait3A_404 : memref<1x512xi32, #tpu.memory_space<hbm>> -> memref<512xi32, #tpu.memory_space<hbm>>
      tpu.wait_dma2 semaphore(%run_scoped3A : memref<!tpu.dma_semaphore, #tpu.memory_space<semaphore_mem>>) src(%dma_wait3A_405 : memref<512xi32, #tpu.memory_space<hbm>>) dst(%arg8 : memref<512xi32, #tpu.memory_space<vmem>>)
      tpu.yield
    }) : () -> ()
    "tpu.region"() ({
      %run_scoped3A = tpu.sem_alloc : memref<!tpu.dma_semaphore, #tpu.memory_space<semaphore_mem>>
      %dma_start3A_394 = arith.constant 0 : i32
      %dma_start3A_395 = tpu.memref_slice %arg5[%add3A, %dma_start3A_394] : memref<32x512xi32, #tpu.memory_space<hbm>> -> memref<1x512xi32, #tpu.memory_space<hbm>>
      %dma_start3A_396 = tpu.memref_squeeze %dma_start3A_395 : memref<1x512xi32, #tpu.memory_space<hbm>> -> memref<512xi32, #tpu.memory_space<hbm>>
      %dma_start3A_397 = arith.constant 0 : i32
      %dma_start3A_398 = tpu.memref_slice %arg5[%add3A, %dma_start3A_397] : memref<32x512xi32, #tpu.memory_space<hbm>> -> memref<1x512xi32, #tpu.memory_space<hbm>>
      %dma_start3A_399 = tpu.memref_squeeze %dma_start3A_398 : memref<1x512xi32, #tpu.memory_space<hbm>> -> memref<512xi32, #tpu.memory_space<hbm>>
      tpu.enqueue_dma source(%dma_start3A_399 : memref<512xi32, #tpu.memory_space<hbm>>) target(%arg9 : memref<512xi32, #tpu.memory_space<vmem>>) target_semaphore(%run_scoped3A : memref<!tpu.dma_semaphore, #tpu.memory_space<semaphore_mem>>)
      %dma_wait3A_400 = arith.constant 0 : i32
      %dma_wait3A_401 = tpu.memref_slice %arg5[%add3A, %dma_wait3A_400] : memref<32x512xi32, #tpu.memory_space<hbm>> -> memref<1x512xi32, #tpu.memory_space<hbm>>
      %dma_wait3A_402 = tpu.memref_squeeze %dma_wait3A_401 : memref<1x512xi32, #tpu.memory_space<hbm>> -> memref<512xi32, #tpu.memory_space<hbm>>
      %dma_wait3A_403 = arith.constant 0 : i32
      %dma_wait3A_404 = tpu.memref_slice %arg5[%add3A, %dma_wait3A_403] : memref<32x512xi32, #tpu.memory_space<hbm>> -> memref<1x512xi32, #tpu.memory_space<hbm>>
      %dma_wait3A_405 = tpu.memref_squeeze %dma_wait3A_404 : memref<1x512xi32, #tpu.memory_space<hbm>> -> memref<512xi32, #tpu.memory_space<hbm>>
      tpu.wait_dma2 semaphore(%run_scoped3A : memref<!tpu.dma_semaphore, #tpu.memory_space<semaphore_mem>>) src(%dma_wait3A_405 : memref<512xi32, #tpu.memory_space<hbm>>) dst(%arg9 : memref<512xi32, #tpu.memory_space<vmem>>)
      tpu.yield
    }) : () -> ()
    "tpu.region"() ({
      %run_scoped3A = tpu.sem_alloc : memref<!tpu.dma_semaphore, #tpu.memory_space<semaphore_mem>>
      %dma_start3A_394 = arith.constant 0 : i32
      %dma_start3A_395 = tpu.memref_slice %arg6[%add3A, %dma_start3A_394] : memref<32x512xf32, #tpu.memory_space<hbm>> -> memref<1x512xf32, #tpu.memory_space<hbm>>
      %dma_start3A_396 = tpu.memref_squeeze %dma_start3A_395 : memref<1x512xf32, #tpu.memory_space<hbm>> -> memref<512xf32, #tpu.memory_space<hbm>>
      %dma_start3A_397 = arith.constant 0 : i32
      %dma_start3A_398 = tpu.memref_slice %arg6[%add3A, %dma_start3A_397] : memref<32x512xf32, #tpu.memory_space<hbm>> -> memref<1x512xf32, #tpu.memory_space<hbm>>
      %dma_start3A_399 = tpu.memref_squeeze %dma_start3A_398 : memref<1x512xf32, #tpu.memory_space<hbm>> -> memref<512xf32, #tpu.memory_space<hbm>>
      tpu.enqueue_dma source(%dma_start3A_399 : memref<512xf32, #tpu.memory_space<hbm>>) target(%arg10 : memref<512xf32, #tpu.memory_space<vmem>>) target_semaphore(%run_scoped3A : memref<!tpu.dma_semaphore, #tpu.memory_space<semaphore_mem>>)
      %dma_wait3A_400 = arith.constant 0 : i32
      %dma_wait3A_401 = tpu.memref_slice %arg6[%add3A, %dma_wait3A_400] : memref<32x512xf32, #tpu.memory_space<hbm>> -> memref<1x512xf32, #tpu.memory_space<hbm>>
      %dma_wait3A_402 = tpu.memref_squeeze %dma_wait3A_401 : memref<1x512xf32, #tpu.memory_space<hbm>> -> memref<512xf32, #tpu.memory_space<hbm>>
      %dma_wait3A_403 = arith.constant 0 : i32
      %dma_wait3A_404 = tpu.memref_slice %arg6[%add3A, %dma_wait3A_403] : memref<32x512xf32, #tpu.memory_space<hbm>> -> memref<1x512xf32, #tpu.memory_space<hbm>>
      %dma_wait3A_405 = tpu.memref_squeeze %dma_wait3A_404 : memref<1x512xf32, #tpu.memory_space<hbm>> -> memref<512xf32, #tpu.memory_space<hbm>>
      tpu.wait_dma2 semaphore(%run_scoped3A : memref<!tpu.dma_semaphore, #tpu.memory_space<semaphore_mem>>) src(%dma_wait3A_405 : memref<512xf32, #tpu.memory_space<hbm>>) dst(%arg10 : memref<512xf32, #tpu.memory_space<vmem>>)
      tpu.yield
    }) : () -> ()
    %scan3A = arith.constant 0 : i32
    %scan3A_3 = arith.constant 0 : i32
    %scan3A_4 = arith.constant 32 : i32
    %scan3A_5 = arith.addi %scan3A_3, %scan3A_4 : i32
    %scan3A_6 = arith.constant 1 : i32
    scf.for %scan3A_394 = %scan3A_3 to %scan3A_5 step %scan3A_6  : i32 {
      %mul3A_395 = arith.constant 16 : i32
      %mul3A_396 = arith.muli %scan3A_394, %mul3A_395 : i32
      %get3A_397 = arith.index_cast %mul3A_396 : i32 to index
      %get3A_398 = tpu.vector_load %arg10[%get3A_397] {strides = array<i32>} : memref<512xf32, #tpu.memory_space<vmem>>, vector<16xf32>,
      %div3A = arith.constant 2.000000e-02 : f32
      %div3A_399 = vector.broadcast %div3A : f32 to vector<16xf32>
      %div3A_400 = arith.divf %get3A_398, %div3A_399 : vector<16xf32>
      %convert_element_type3A = arith.fptosi %div3A_400 : vector<16xf32> to vector<16xi32>
      %min3A = arith.constant 49 : i32
      %min3A_401 = vector.broadcast %min3A : i32 to vector<16xi32>
      %min3A_402 = arith.minsi %convert_element_type3A, %min3A_401 : vector<16xi32>
      %mul3A_403 = arith.constant 16 : i32
      %mul3A_404 = arith.muli %scan3A_394, %mul3A_403 : i32
      %swap3A_405 = arith.index_cast %mul3A_404 : i32 to index
      %swap3A_406 = tpu.vector_load %arg11[%swap3A_405] {strides = array<i32>} : memref<512xi32, #tpu.memory_space<vmem>>, vector<16xi32>,
      tpu.vector_store %arg11[%swap3A_405], %min3A_402 {strides = array<i32>} : memref<512xi32, #tpu.memory_space<vmem>>, vector<16xi32>,
      %rem3A = arith.constant 2.000000e-02 : f32
      %rem3A_407 = vector.broadcast %rem3A : f32 to vector<16xf32>
      %rem3A_408 = arith.remf %get3A_398, %rem3A_407 : vector<16xf32>
      %div3A_409 = arith.constant 2.000000e-02 : f32
      %div3A_410 = vector.broadcast %div3A_409 : f32 to vector<16xf32>
      %div3A_411 = arith.divf %rem3A_408, %div3A_410 : vector<16xf32>
      %mul3A_412 = arith.constant 16 : i32
      %mul3A_413 = arith.muli %scan3A_394, %mul3A_412 : i32
      %swap3A_414 = arith.index_cast %mul3A_413 : i32 to index
      %swap3A_415 = tpu.vector_load %arg12[%swap3A_414] {strides = array<i32>} : memref<512xf32, #tpu.memory_space<vmem>>, vector<16xf32>,
      tpu.vector_store %arg12[%swap3A_414], %div3A_411 {strides = array<i32>} : memref<512xf32, #tpu.memory_space<vmem>>, vector<16xf32>,
    }
    %scan3A_7 = arith.constant 32 : i32
    %get3A = arith.constant 0 : index
    %get3A_8 = tpu.vector_load %arg11[%get3A] {strides = array<i32>} : memref<512xi32, #tpu.memory_space<vmem>>, vector<16xi32>,
    %get3A_9 = arith.constant 0 : index
    %get3A_10 = tpu.vector_load %arg8[%get3A_9] {strides = array<i32>} : memref<512xi32, #tpu.memory_space<vmem>>, vector<16xi32>,
    %get3A_11 = arith.constant 0 : index
    %get3A_12 = tpu.vector_load %arg9[%get3A_11] {strides = array<i32>} : memref<512xi32, #tpu.memory_space<vmem>>, vector<16xi32>,
    %mul3A_13 = arith.constant 1600000 : i32
    %mul3A_14 = vector.broadcast %mul3A_13 : i32 to vector<16xi32>
    %mul3A_15 = arith.muli %get3A_8, %mul3A_14 : vector<16xi32>
    %add3A_16 = arith.constant 1600000 : i32
    %add3A_17 = vector.broadcast %add3A_16 : i32 to vector<16xi32>
    %add3A_18 = arith.addi %mul3A_15, %add3A_17 : vector<16xi32>
    %scan3A_19 = arith.constant 0 : i32
    %scan3A_20 = arith.constant 0 : i32
    %scan3A_21 = arith.constant 16 : i32
    %scan3A_22 = arith.addi %scan3A_20, %scan3A_21 : i32
    %scan3A_23 = arith.constant 1 : i32
    scf.for %scan3A_394 = %scan3A_20 to %scan3A_22 step %scan3A_23  : i32 {
      %shift_right_arithmetic3A = arith.constant 1 : i32
      %shift_right_arithmetic3A_395 = arith.shrsi %scan3A_394, %shift_right_arithmetic3A : i32
      %add3A_396 = arith.constant 0 : i32
      %add3A_397 = arith.addi %add3A_396, %shift_right_arithmetic3A_395 : i32
      %and3A = arith.constant 1 : i32
      %and3A_398 = arith.andi %scan3A_394, %and3A : i32
      %mul3A_399 = arith.constant 64 : i32
      %mul3A_400 = arith.muli %and3A_398, %mul3A_399 : i32
      %mul3A_401 = arith.constant 100000 : i32
      %mul3A_402 = arith.muli %scan3A_394, %mul3A_401 : i32
      %add3A_403 = vector.broadcast %mul3A_402 : i32 to vector<16xi32>
      %add3A_404 = arith.addi %get3A_10, %add3A_403 : vector<16xi32>
      %add3A_405 = vector.broadcast %mul3A_402 : i32 to vector<16xi32>
      %add3A_406 = arith.addi %get3A_12, %add3A_405 : vector<16xi32>
      %add3A_407 = arith.addi %mul3A_15, %add3A_404 : vector<16xi32>
      %swap3A_408 = arith.index_cast %add3A_397 : i32 to index
      %swap3A_409 = arith.index_cast %mul3A_400 : i32 to index
      %swap3A_410 = tpu.vector_load %arg13[%swap3A_408, %swap3A_409] {strides = array<i32>} : memref<32x128xi32, #tpu.memory_space<vmem>>, vector<16xi32>,
      tpu.vector_store %arg13[%swap3A_408, %swap3A_409], %add3A_407 {strides = array<i32>} : memref<32x128xi32, #tpu.memory_space<vmem>>, vector<16xi32>,
      %add3A_411 = arith.addi %add3A_18, %add3A_404 : vector<16xi32>
      %add3A_412 = arith.constant 16 : i32
      %add3A_413 = arith.addi %mul3A_400, %add3A_412 : i32
      %swap3A_414 = arith.index_cast %add3A_397 : i32 to index
      %swap3A_415 = arith.index_cast %add3A_413 : i32 to index
      %swap3A_416 = tpu.vector_load %arg13[%swap3A_414, %swap3A_415] {strides = array<i32>} : memref<32x128xi32, #tpu.memory_space<vmem>>, vector<16xi32>,
      tpu.vector_store %arg13[%swap3A_414, %swap3A_415], %add3A_411 {strides = array<i32>} : memref<32x128xi32, #tpu.memory_space<vmem>>, vector<16xi32>,
      %add3A_417 = arith.addi %mul3A_15, %add3A_406 : vector<16xi32>
      %add3A_418 = arith.constant 32 : i32
      %add3A_419 = arith.addi %mul3A_400, %add3A_418 : i32
      %swap3A_420 = arith.index_cast %add3A_397 : i32 to index
      %swap3A_421 = arith.index_cast %add3A_419 : i32 to index
      %swap3A_422 = tpu.vector_load %arg13[%swap3A_420, %swap3A_421] {strides = array<i32>} : memref<32x128xi32, #tpu.memory_space<vmem>>, vector<16xi32>,
      tpu.vector_store %arg13[%swap3A_420, %swap3A_421], %add3A_417 {strides = array<i32>} : memref<32x128xi32, #tpu.memory_space<vmem>>, vector<16xi32>,
      %add3A_423 = arith.addi %add3A_18, %add3A_406 : vector<16xi32>
      %add3A_424 = arith.constant 48 : i32
      %add3A_425 = arith.addi %mul3A_400, %add3A_424 : i32
      %swap3A_426 = arith.index_cast %add3A_397 : i32 to index
      %swap3A_427 = arith.index_cast %add3A_425 : i32 to index
      %swap3A_428 = tpu.vector_load %arg13[%swap3A_426, %swap3A_427] {strides = array<i32>} : memref<32x128xi32, #tpu.memory_space<vmem>>, vector<16xi32>,
      tpu.vector_store %arg13[%swap3A_426, %swap3A_427], %add3A_423 {strides = array<i32>} : memref<32x128xi32, #tpu.memory_space<vmem>>, vector<16xi32>,
    }
    %scan3A_24 = arith.constant 16 : i32
    %dma_start3A = arith.constant 0 : i32
    %dma_start3A_25 = arith.constant 0 : i32
    %dma_start3A_26 = arith.constant 0 : i32
    %dma_start3A_27 = tpu.memref_slice %arg14[%dma_start3A_25, %dma_start3A_26] : memref<32x128xf32, #tpu.memory_space<vmem>> -> memref<1x128xf32, #tpu.memory_space<vmem>>
    %dma_start3A_28 = tpu.memref_squeeze %dma_start3A_27 : memref<1x128xf32, #tpu.memory_space<vmem>> -> memref<128xf32, #tpu.memory_space<vmem>>
    %dma_start3A_29 = arith.constant 0 : i32
    %dma_start3A_30 = tpu.memref_slice %arg13[%dma_start3A, %dma_start3A_29] : memref<32x128xi32, #tpu.memory_space<vmem>> -> memref<1x128xi32, #tpu.memory_space<vmem>>
    %dma_start3A_31 = tpu.memref_squeeze %dma_start3A_30 : memref<1x128xi32, #tpu.memory_space<vmem>> -> memref<128xi32, #tpu.memory_space<vmem>>
    %dma_start3A_32 = arith.constant 0 : i32
    %dma_start3A_33 = tpu.memref_slice %arg2[%dma_start3A_32] : memref<81600000xf32, #tpu.memory_space<hbm>> -> memref<81600000xf32, #tpu.memory_space<hbm>>
    tpu.enqueue_indirect_dma source(%dma_start3A_33 : memref<81600000xf32, #tpu.memory_space<hbm>>) target(%dma_start3A_28 : memref<128xf32, #tpu.memory_space<vmem>>) offsets(%dma_start3A_31 : memref<128xi32, #tpu.memory_space<vmem>>) semaphore(%arg17 : memref<!tpu.dma_semaphore, #tpu.memory_space<semaphore_mem>>)
    %dma_start3A_34 = arith.constant 1 : i32
    %dma_start3A_35 = arith.constant 1 : i32
    %dma_start3A_36 = arith.constant 0 : i32
    %dma_start3A_37 = tpu.memref_slice %arg14[%dma_start3A_35, %dma_start3A_36] : memref<32x128xf32, #tpu.memory_space<vmem>> -> memref<1x128xf32, #tpu.memory_space<vmem>>
    %dma_start3A_38 = tpu.memref_squeeze %dma_start3A_37 : memref<1x128xf32, #tpu.memory_space<vmem>> -> memref<128xf32, #tpu.memory_space<vmem>>
    %dma_start3A_39 = arith.constant 0 : i32
    %dma_start3A_40 = tpu.memref_slice %arg13[%dma_start3A_34, %dma_start3A_39] : memref<32x128xi32, #tpu.memory_space<vmem>> -> memref<1x128xi32, #tpu.memory_space<vmem>>
    %dma_start3A_41 = tpu.memref_squeeze %dma_start3A_40 : memref<1x128xi32, #tpu.memory_space<vmem>> -> memref<128xi32, #tpu.memory_space<vmem>>
    %dma_start3A_42 = arith.constant 0 : i32
    %dma_start3A_43 = tpu.memref_slice %arg2[%dma_start3A_42] : memref<81600000xf32, #tpu.memory_space<hbm>> -> memref<81600000xf32, #tpu.memory_space<hbm>>
    tpu.enqueue_indirect_dma source(%dma_start3A_43 : memref<81600000xf32, #tpu.memory_space<hbm>>) target(%dma_start3A_38 : memref<128xf32, #tpu.memory_space<vmem>>) offsets(%dma_start3A_41 : memref<128xi32, #tpu.memory_space<vmem>>) semaphore(%arg17 : memref<!tpu.dma_semaphore, #tpu.memory_space<semaphore_mem>>)
    %dma_start3A_44 = arith.constant 2 : i32
    %dma_start3A_45 = arith.constant 2 : i32
    %dma_start3A_46 = arith.constant 0 : i32
    %dma_start3A_47 = tpu.memref_slice %arg14[%dma_start3A_45, %dma_start3A_46] : memref<32x128xf32, #tpu.memory_space<vmem>> -> memref<1x128xf32, #tpu.memory_space<vmem>>
    %dma_start3A_48 = tpu.memref_squeeze %dma_start3A_47 : memref<1x128xf32, #tpu.memory_space<vmem>> -> memref<128xf32, #tpu.memory_space<vmem>>
    %dma_start3A_49 = arith.constant 0 : i32
    %dma_start3A_50 = tpu.memref_slice %arg13[%dma_start3A_44, %dma_start3A_49] : memref<32x128xi32, #tpu.memory_space<vmem>> -> memref<1x128xi32, #tpu.memory_space<vmem>>
    %dma_start3A_51 = tpu.memref_squeeze %dma_start3A_50 : memref<1x128xi32, #tpu.memory_space<vmem>> -> memref<128xi32, #tpu.memory_space<vmem>>
    %dma_start3A_52 = arith.constant 0 : i32
    %dma_start3A_53 = tpu.memref_slice %arg2[%dma_start3A_52] : memref<81600000xf32, #tpu.memory_space<hbm>> -> memref<81600000xf32, #tpu.memory_space<hbm>>
    tpu.enqueue_indirect_dma source(%dma_start3A_53 : memref<81600000xf32, #tpu.memory_space<hbm>>) target(%dma_start3A_48 : memref<128xf32, #tpu.memory_space<vmem>>) offsets(%dma_start3A_51 : memref<128xi32, #tpu.memory_space<vmem>>) semaphore(%arg17 : memref<!tpu.dma_semaphore, #tpu.memory_space<semaphore_mem>>)
    %dma_start3A_54 = arith.constant 3 : i32
    %dma_start3A_55 = arith.constant 3 : i32
    %dma_start3A_56 = arith.constant 0 : i32
    %dma_start3A_57 = tpu.memref_slice %arg14[%dma_start3A_55, %dma_start3A_56] : memref<32x128xf32, #tpu.memory_space<vmem>> -> memref<1x128xf32, #tpu.memory_space<vmem>>
    %dma_start3A_58 = tpu.memref_squeeze %dma_start3A_57 : memref<1x128xf32, #tpu.memory_space<vmem>> -> memref<128xf32, #tpu.memory_space<vmem>>
    %dma_start3A_59 = arith.constant 0 : i32
    %dma_start3A_60 = tpu.memref_slice %arg13[%dma_start3A_54, %dma_start3A_59] : memref<32x128xi32, #tpu.memory_space<vmem>> -> memref<1x128xi32, #tpu.memory_space<vmem>>
    %dma_start3A_61 = tpu.memref_squeeze %dma_start3A_60 : memref<1x128xi32, #tpu.memory_space<vmem>> -> memref<128xi32, #tpu.memory_space<vmem>>
    %dma_start3A_62 = arith.constant 0 : i32
    %dma_start3A_63 = tpu.memref_slice %arg2[%dma_start3A_62] : memref<81600000xf32, #tpu.memory_space<hbm>> -> memref<81600000xf32, #tpu.memory_space<hbm>>
    tpu.enqueue_indirect_dma source(%dma_start3A_63 : memref<81600000xf32, #tpu.memory_space<hbm>>) target(%dma_start3A_58 : memref<128xf32, #tpu.memory_space<vmem>>) offsets(%dma_start3A_61 : memref<128xi32, #tpu.memory_space<vmem>>) semaphore(%arg17 : memref<!tpu.dma_semaphore, #tpu.memory_space<semaphore_mem>>)
    %dma_start3A_64 = arith.constant 4 : i32
    %dma_start3A_65 = arith.constant 4 : i32
    %dma_start3A_66 = arith.constant 0 : i32
    %dma_start3A_67 = tpu.memref_slice %arg14[%dma_start3A_65, %dma_start3A_66] : memref<32x128xf32, #tpu.memory_space<vmem>> -> memref<1x128xf32, #tpu.memory_space<vmem>>
    %dma_start3A_68 = tpu.memref_squeeze %dma_start3A_67 : memref<1x128xf32, #tpu.memory_space<vmem>> -> memref<128xf32, #tpu.memory_space<vmem>>
    %dma_start3A_69 = arith.constant 0 : i32
    %dma_start3A_70 = tpu.memref_slice %arg13[%dma_start3A_64, %dma_start3A_69] : memref<32x128xi32, #tpu.memory_space<vmem>> -> memref<1x128xi32, #tpu.memory_space<vmem>>
    %dma_start3A_71 = tpu.memref_squeeze %dma_start3A_70 : memref<1x128xi32, #tpu.memory_space<vmem>> -> memref<128xi32, #tpu.memory_space<vmem>>
    %dma_start3A_72 = arith.constant 0 : i32
    %dma_start3A_73 = tpu.memref_slice %arg2[%dma_start3A_72] : memref<81600000xf32, #tpu.memory_space<hbm>> -> memref<81600000xf32, #tpu.memory_space<hbm>>
    tpu.enqueue_indirect_dma source(%dma_start3A_73 : memref<81600000xf32, #tpu.memory_space<hbm>>) target(%dma_start3A_68 : memref<128xf32, #tpu.memory_space<vmem>>) offsets(%dma_start3A_71 : memref<128xi32, #tpu.memory_space<vmem>>) semaphore(%arg17 : memref<!tpu.dma_semaphore, #tpu.memory_space<semaphore_mem>>)
    %dma_start3A_74 = arith.constant 5 : i32
    %dma_start3A_75 = arith.constant 5 : i32
    %dma_start3A_76 = arith.constant 0 : i32
    %dma_start3A_77 = tpu.memref_slice %arg14[%dma_start3A_75, %dma_start3A_76] : memref<32x128xf32, #tpu.memory_space<vmem>> -> memref<1x128xf32, #tpu.memory_space<vmem>>
    %dma_start3A_78 = tpu.memref_squeeze %dma_start3A_77 : memref<1x128xf32, #tpu.memory_space<vmem>> -> memref<128xf32, #tpu.memory_space<vmem>>
    %dma_start3A_79 = arith.constant 0 : i32
    %dma_start3A_80 = tpu.memref_slice %arg13[%dma_start3A_74, %dma_start3A_79] : memref<32x128xi32, #tpu.memory_space<vmem>> -> memref<1x128xi32, #tpu.memory_space<vmem>>
    %dma_start3A_81 = tpu.memref_squeeze %dma_start3A_80 : memref<1x128xi32, #tpu.memory_space<vmem>> -> memref<128xi32, #tpu.memory_space<vmem>>
    %dma_start3A_82 = arith.constant 0 : i32
    %dma_start3A_83 = tpu.memref_slice %arg2[%dma_start3A_82] : memref<81600000xf32, #tpu.memory_space<hbm>> -> memref<81600000xf32, #tpu.memory_space<hbm>>
    tpu.enqueue_indirect_dma source(%dma_start3A_83 : memref<81600000xf32, #tpu.memory_space<hbm>>) target(%dma_start3A_78 : memref<128xf32, #tpu.memory_space<vmem>>) offsets(%dma_start3A_81 : memref<128xi32, #tpu.memory_space<vmem>>) semaphore(%arg17 : memref<!tpu.dma_semaphore, #tpu.memory_space<semaphore_mem>>)
    %dma_start3A_84 = arith.constant 6 : i32
    %dma_start3A_85 = arith.constant 6 : i32
    %dma_start3A_86 = arith.constant 0 : i32
    %dma_start3A_87 = tpu.memref_slice %arg14[%dma_start3A_85, %dma_start3A_86] : memref<32x128xf32, #tpu.memory_space<vmem>> -> memref<1x128xf32, #tpu.memory_space<vmem>>
    %dma_start3A_88 = tpu.memref_squeeze %dma_start3A_87 : memref<1x128xf32, #tpu.memory_space<vmem>> -> memref<128xf32, #tpu.memory_space<vmem>>
    %dma_start3A_89 = arith.constant 0 : i32
    %dma_start3A_90 = tpu.memref_slice %arg13[%dma_start3A_84, %dma_start3A_89] : memref<32x128xi32, #tpu.memory_space<vmem>> -> memref<1x128xi32, #tpu.memory_space<vmem>>
    %dma_start3A_91 = tpu.memref_squeeze %dma_start3A_90 : memref<1x128xi32, #tpu.memory_space<vmem>> -> memref<128xi32, #tpu.memory_space<vmem>>
    %dma_start3A_92 = arith.constant 0 : i32
    %dma_start3A_93 = tpu.memref_slice %arg2[%dma_start3A_92] : memref<81600000xf32, #tpu.memory_space<hbm>> -> memref<81600000xf32, #tpu.memory_space<hbm>>
    tpu.enqueue_indirect_dma source(%dma_start3A_93 : memref<81600000xf32, #tpu.memory_space<hbm>>) target(%dma_start3A_88 : memref<128xf32, #tpu.memory_space<vmem>>) offsets(%dma_start3A_91 : memref<128xi32, #tpu.memory_space<vmem>>) semaphore(%arg17 : memref<!tpu.dma_semaphore, #tpu.memory_space<semaphore_mem>>)
    %dma_start3A_94 = arith.constant 7 : i32
    %dma_start3A_95 = arith.constant 7 : i32
    %dma_start3A_96 = arith.constant 0 : i32
    %dma_start3A_97 = tpu.memref_slice %arg14[%dma_start3A_95, %dma_start3A_96] : memref<32x128xf32, #tpu.memory_space<vmem>> -> memref<1x128xf32, #tpu.memory_space<vmem>>
    %dma_start3A_98 = tpu.memref_squeeze %dma_start3A_97 : memref<1x128xf32, #tpu.memory_space<vmem>> -> memref<128xf32, #tpu.memory_space<vmem>>
    %dma_start3A_99 = arith.constant 0 : i32
    %dma_start3A_100 = tpu.memref_slice %arg13[%dma_start3A_94, %dma_start3A_99] : memref<32x128xi32, #tpu.memory_space<vmem>> -> memref<1x128xi32, #tpu.memory_space<vmem>>
    %dma_start3A_101 = tpu.memref_squeeze %dma_start3A_100 : memref<1x128xi32, #tpu.memory_space<vmem>> -> memref<128xi32, #tpu.memory_space<vmem>>
    %dma_start3A_102 = arith.constant 0 : i32
    %dma_start3A_103 = tpu.memref_slice %arg2[%dma_start3A_102] : memref<81600000xf32, #tpu.memory_space<hbm>> -> memref<81600000xf32, #tpu.memory_space<hbm>>
    tpu.enqueue_indirect_dma source(%dma_start3A_103 : memref<81600000xf32, #tpu.memory_space<hbm>>) target(%dma_start3A_98 : memref<128xf32, #tpu.memory_space<vmem>>) offsets(%dma_start3A_101 : memref<128xi32, #tpu.memory_space<vmem>>) semaphore(%arg17 : memref<!tpu.dma_semaphore, #tpu.memory_space<semaphore_mem>>)
    %get3A_104 = arith.constant 16 : index
    %get3A_105 = tpu.vector_load %arg11[%get3A_104] {strides = array<i32>} : memref<512xi32, #tpu.memory_space<vmem>>, vector<16xi32>,
    %get3A_106 = arith.constant 16 : index
    %get3A_107 = tpu.vector_load %arg8[%get3A_106] {strides = array<i32>} : memref<512xi32, #tpu.memory_space<vmem>>, vector<16xi32>,
    %get3A_108 = arith.constant 16 : index
    %get3A_109 = tpu.vector_load %arg9[%get3A_108] {strides = array<i32>} : memref<512xi32, #tpu.memory_space<vmem>>, vector<16xi32>,
    %mul3A_110 = arith.constant 1600000 : i32
    %mul3A_111 = vector.broadcast %mul3A_110 : i32 to vector<16xi32>
    %mul3A_112 = arith.muli %get3A_105, %mul3A_111 : vector<16xi32>
    %add3A_113 = arith.constant 1600000 : i32
    %add3A_114 = vector.broadcast %add3A_113 : i32 to vector<16xi32>
    %add3A_115 = arith.addi %mul3A_112, %add3A_114 : vector<16xi32>
    %scan3A_116 = arith.constant 0 : i32
    %scan3A_117 = arith.constant 0 : i32
    %scan3A_118 = arith.constant 16 : i32
    %scan3A_119 = arith.addi %scan3A_117, %scan3A_118 : i32
    %scan3A_120 = arith.constant 1 : i32
    scf.for %scan3A_394 = %scan3A_117 to %scan3A_119 step %scan3A_120  : i32 {
      %shift_right_arithmetic3A = arith.constant 1 : i32
      %shift_right_arithmetic3A_395 = arith.shrsi %scan3A_394, %shift_right_arithmetic3A : i32
      %add3A_396 = arith.constant 8 : i32
      %add3A_397 = arith.addi %add3A_396, %shift_right_arithmetic3A_395 : i32
      %and3A = arith.constant 1 : i32
      %and3A_398 = arith.andi %scan3A_394, %and3A : i32
      %mul3A_399 = arith.constant 64 : i32
      %mul3A_400 = arith.muli %and3A_398, %mul3A_399 : i32
      %mul3A_401 = arith.constant 100000 : i32
      %mul3A_402 = arith.muli %scan3A_394, %mul3A_401 : i32
      %add3A_403 = vector.broadcast %mul3A_402 : i32 to vector<16xi32>
      %add3A_404 = arith.addi %get3A_107, %add3A_403 : vector<16xi32>
      %add3A_405 = vector.broadcast %mul3A_402 : i32 to vector<16xi32>
      %add3A_406 = arith.addi %get3A_109, %add3A_405 : vector<16xi32>
      %add3A_407 = arith.addi %mul3A_112, %add3A_404 : vector<16xi32>
      %swap3A_408 = arith.index_cast %add3A_397 : i32 to index
      %swap3A_409 = arith.index_cast %mul3A_400 : i32 to index
      %swap3A_410 = tpu.vector_load %arg13[%swap3A_408, %swap3A_409] {strides = array<i32>} : memref<32x128xi32, #tpu.memory_space<vmem>>, vector<16xi32>,
      tpu.vector_store %arg13[%swap3A_408, %swap3A_409], %add3A_407 {strides = array<i32>} : memref<32x128xi32, #tpu.memory_space<vmem>>, vector<16xi32>,
      %add3A_411 = arith.addi %add3A_115, %add3A_404 : vector<16xi32>
      %add3A_412 = arith.constant 16 : i32
      %add3A_413 = arith.addi %mul3A_400, %add3A_412 : i32
      %swap3A_414 = arith.index_cast %add3A_397 : i32 to index
      %swap3A_415 = arith.index_cast %add3A_413 : i32 to index
      %swap3A_416 = tpu.vector_load %arg13[%swap3A_414, %swap3A_415] {strides = array<i32>} : memref<32x128xi32, #tpu.memory_space<vmem>>, vector<16xi32>,
      tpu.vector_store %arg13[%swap3A_414, %swap3A_415], %add3A_411 {strides = array<i32>} : memref<32x128xi32, #tpu.memory_space<vmem>>, vector<16xi32>,
      %add3A_417 = arith.addi %mul3A_112, %add3A_406 : vector<16xi32>
      %add3A_418 = arith.constant 32 : i32
      %add3A_419 = arith.addi %mul3A_400, %add3A_418 : i32
      %swap3A_420 = arith.index_cast %add3A_397 : i32 to index
      %swap3A_421 = arith.index_cast %add3A_419 : i32 to index
      %swap3A_422 = tpu.vector_load %arg13[%swap3A_420, %swap3A_421] {strides = array<i32>} : memref<32x128xi32, #tpu.memory_space<vmem>>, vector<16xi32>,
      tpu.vector_store %arg13[%swap3A_420, %swap3A_421], %add3A_417 {strides = array<i32>} : memref<32x128xi32, #tpu.memory_space<vmem>>, vector<16xi32>,
      %add3A_423 = arith.addi %add3A_115, %add3A_406 : vector<16xi32>
      %add3A_424 = arith.constant 48 : i32
      %add3A_425 = arith.addi %mul3A_400, %add3A_424 : i32
      %swap3A_426 = arith.index_cast %add3A_397 : i32 to index
      %swap3A_427 = arith.index_cast %add3A_425 : i32 to index
      %swap3A_428 = tpu.vector_load %arg13[%swap3A_426, %swap3A_427] {strides = array<i32>} : memref<32x128xi32, #tpu.memory_space<vmem>>, vector<16xi32>,
      tpu.vector_store %arg13[%swap3A_426, %swap3A_427], %add3A_423 {strides = array<i32>} : memref<32x128xi32, #tpu.memory_space<vmem>>, vector<16xi32>,
    }
    %scan3A_121 = arith.constant 16 : i32
    %dma_start3A_122 = arith.constant 8 : i32
    %dma_start3A_123 = arith.constant 8 : i32
    %dma_start3A_124 = arith.constant 0 : i32
    %dma_start3A_125 = tpu.memref_slice %arg14[%dma_start3A_123, %dma_start3A_124] : memref<32x128xf32, #tpu.memory_space<vmem>> -> memref<1x128xf32, #tpu.memory_space<vmem>>
    %dma_start3A_126 = tpu.memref_squeeze %dma_start3A_125 : memref<1x128xf32, #tpu.memory_space<vmem>> -> memref<128xf32, #tpu.memory_space<vmem>>
    %dma_start3A_127 = arith.constant 0 : i32
    %dma_start3A_128 = tpu.memref_slice %arg13[%dma_start3A_122, %dma_start3A_127] : memref<32x128xi32, #tpu.memory_space<vmem>> -> memref<1x128xi32, #tpu.memory_space<vmem>>
    %dma_start3A_129 = tpu.memref_squeeze %dma_start3A_128 : memref<1x128xi32, #tpu.memory_space<vmem>> -> memref<128xi32, #tpu.memory_space<vmem>>
    %dma_start3A_130 = arith.constant 0 : i32
    %dma_start3A_131 = tpu.memref_slice %arg2[%dma_start3A_130] : memref<81600000xf32, #tpu.memory_space<hbm>> -> memref<81600000xf32, #tpu.memory_space<hbm>>
    tpu.enqueue_indirect_dma source(%dma_start3A_131 : memref<81600000xf32, #tpu.memory_space<hbm>>) target(%dma_start3A_126 : memref<128xf32, #tpu.memory_space<vmem>>) offsets(%dma_start3A_129 : memref<128xi32, #tpu.memory_space<vmem>>) semaphore(%arg17 : memref<!tpu.dma_semaphore, #tpu.memory_space<semaphore_mem>>)
    %dma_start3A_132 = arith.constant 9 : i32
    %dma_start3A_133 = arith.constant 9 : i32
    %dma_start3A_134 = arith.constant 0 : i32
    %dma_start3A_135 = tpu.memref_slice %arg14[%dma_start3A_133, %dma_start3A_134] : memref<32x128xf32, #tpu.memory_space<vmem>> -> memref<1x128xf32, #tpu.memory_space<vmem>>
    %dma_start3A_136 = tpu.memref_squeeze %dma_start3A_135 : memref<1x128xf32, #tpu.memory_space<vmem>> -> memref<128xf32, #tpu.memory_space<vmem>>
    %dma_start3A_137 = arith.constant 0 : i32
    %dma_start3A_138 = tpu.memref_slice %arg13[%dma_start3A_132, %dma_start3A_137] : memref<32x128xi32, #tpu.memory_space<vmem>> -> memref<1x128xi32, #tpu.memory_space<vmem>>
    %dma_start3A_139 = tpu.memref_squeeze %dma_start3A_138 : memref<1x128xi32, #tpu.memory_space<vmem>> -> memref<128xi32, #tpu.memory_space<vmem>>
    %dma_start3A_140 = arith.constant 0 : i32
    %dma_start3A_141 = tpu.memref_slice %arg2[%dma_start3A_140] : memref<81600000xf32, #tpu.memory_space<hbm>> -> memref<81600000xf32, #tpu.memory_space<hbm>>
    tpu.enqueue_indirect_dma source(%dma_start3A_141 : memref<81600000xf32, #tpu.memory_space<hbm>>) target(%dma_start3A_136 : memref<128xf32, #tpu.memory_space<vmem>>) offsets(%dma_start3A_139 : memref<128xi32, #tpu.memory_space<vmem>>) semaphore(%arg17 : memref<!tpu.dma_semaphore, #tpu.memory_space<semaphore_mem>>)
    %dma_start3A_142 = arith.constant 10 : i32
    %dma_start3A_143 = arith.constant 10 : i32
    %dma_start3A_144 = arith.constant 0 : i32
    %dma_start3A_145 = tpu.memref_slice %arg14[%dma_start3A_143, %dma_start3A_144] : memref<32x128xf32, #tpu.memory_space<vmem>> -> memref<1x128xf32, #tpu.memory_space<vmem>>
    %dma_start3A_146 = tpu.memref_squeeze %dma_start3A_145 : memref<1x128xf32, #tpu.memory_space<vmem>> -> memref<128xf32, #tpu.memory_space<vmem>>
    %dma_start3A_147 = arith.constant 0 : i32
    %dma_start3A_148 = tpu.memref_slice %arg13[%dma_start3A_142, %dma_start3A_147] : memref<32x128xi32, #tpu.memory_space<vmem>> -> memref<1x128xi32, #tpu.memory_space<vmem>>
    %dma_start3A_149 = tpu.memref_squeeze %dma_start3A_148 : memref<1x128xi32, #tpu.memory_space<vmem>> -> memref<128xi32, #tpu.memory_space<vmem>>
    %dma_start3A_150 = arith.constant 0 : i32
    %dma_start3A_151 = tpu.memref_slice %arg2[%dma_start3A_150] : memref<81600000xf32, #tpu.memory_space<hbm>> -> memref<81600000xf32, #tpu.memory_space<hbm>>
    tpu.enqueue_indirect_dma source(%dma_start3A_151 : memref<81600000xf32, #tpu.memory_space<hbm>>) target(%dma_start3A_146 : memref<128xf32, #tpu.memory_space<vmem>>) offsets(%dma_start3A_149 : memref<128xi32, #tpu.memory_space<vmem>>) semaphore(%arg17 : memref<!tpu.dma_semaphore, #tpu.memory_space<semaphore_mem>>)
    %dma_start3A_152 = arith.constant 11 : i32
    %dma_start3A_153 = arith.constant 11 : i32
    %dma_start3A_154 = arith.constant 0 : i32
    %dma_start3A_155 = tpu.memref_slice %arg14[%dma_start3A_153, %dma_start3A_154] : memref<32x128xf32, #tpu.memory_space<vmem>> -> memref<1x128xf32, #tpu.memory_space<vmem>>
    %dma_start3A_156 = tpu.memref_squeeze %dma_start3A_155 : memref<1x128xf32, #tpu.memory_space<vmem>> -> memref<128xf32, #tpu.memory_space<vmem>>
    %dma_start3A_157 = arith.constant 0 : i32
    %dma_start3A_158 = tpu.memref_slice %arg13[%dma_start3A_152, %dma_start3A_157] : memref<32x128xi32, #tpu.memory_space<vmem>> -> memref<1x128xi32, #tpu.memory_space<vmem>>
    %dma_start3A_159 = tpu.memref_squeeze %dma_start3A_158 : memref<1x128xi32, #tpu.memory_space<vmem>> -> memref<128xi32, #tpu.memory_space<vmem>>
    %dma_start3A_160 = arith.constant 0 : i32
    %dma_start3A_161 = tpu.memref_slice %arg2[%dma_start3A_160] : memref<81600000xf32, #tpu.memory_space<hbm>> -> memref<81600000xf32, #tpu.memory_space<hbm>>
    tpu.enqueue_indirect_dma source(%dma_start3A_161 : memref<81600000xf32, #tpu.memory_space<hbm>>) target(%dma_start3A_156 : memref<128xf32, #tpu.memory_space<vmem>>) offsets(%dma_start3A_159 : memref<128xi32, #tpu.memory_space<vmem>>) semaphore(%arg17 : memref<!tpu.dma_semaphore, #tpu.memory_space<semaphore_mem>>)
    %dma_start3A_162 = arith.constant 12 : i32
    %dma_start3A_163 = arith.constant 12 : i32
    %dma_start3A_164 = arith.constant 0 : i32
    %dma_start3A_165 = tpu.memref_slice %arg14[%dma_start3A_163, %dma_start3A_164] : memref<32x128xf32, #tpu.memory_space<vmem>> -> memref<1x128xf32, #tpu.memory_space<vmem>>
    %dma_start3A_166 = tpu.memref_squeeze %dma_start3A_165 : memref<1x128xf32, #tpu.memory_space<vmem>> -> memref<128xf32, #tpu.memory_space<vmem>>
    %dma_start3A_167 = arith.constant 0 : i32
    %dma_start3A_168 = tpu.memref_slice %arg13[%dma_start3A_162, %dma_start3A_167] : memref<32x128xi32, #tpu.memory_space<vmem>> -> memref<1x128xi32, #tpu.memory_space<vmem>>
    %dma_start3A_169 = tpu.memref_squeeze %dma_start3A_168 : memref<1x128xi32, #tpu.memory_space<vmem>> -> memref<128xi32, #tpu.memory_space<vmem>>
    %dma_start3A_170 = arith.constant 0 : i32
    %dma_start3A_171 = tpu.memref_slice %arg2[%dma_start3A_170] : memref<81600000xf32, #tpu.memory_space<hbm>> -> memref<81600000xf32, #tpu.memory_space<hbm>>
    tpu.enqueue_indirect_dma source(%dma_start3A_171 : memref<81600000xf32, #tpu.memory_space<hbm>>) target(%dma_start3A_166 : memref<128xf32, #tpu.memory_space<vmem>>) offsets(%dma_start3A_169 : memref<128xi32, #tpu.memory_space<vmem>>) semaphore(%arg17 : memref<!tpu.dma_semaphore, #tpu.memory_space<semaphore_mem>>)
    %dma_start3A_172 = arith.constant 13 : i32
    %dma_start3A_173 = arith.constant 13 : i32
    %dma_start3A_174 = arith.constant 0 : i32
    %dma_start3A_175 = tpu.memref_slice %arg14[%dma_start3A_173, %dma_start3A_174] : memref<32x128xf32, #tpu.memory_space<vmem>> -> memref<1x128xf32, #tpu.memory_space<vmem>>
    %dma_start3A_176 = tpu.memref_squeeze %dma_start3A_175 : memref<1x128xf32, #tpu.memory_space<vmem>> -> memref<128xf32, #tpu.memory_space<vmem>>
    %dma_start3A_177 = arith.constant 0 : i32
    %dma_start3A_178 = tpu.memref_slice %arg13[%dma_start3A_172, %dma_start3A_177] : memref<32x128xi32, #tpu.memory_space<vmem>> -> memref<1x128xi32, #tpu.memory_space<vmem>>
    %dma_start3A_179 = tpu.memref_squeeze %dma_start3A_178 : memref<1x128xi32, #tpu.memory_space<vmem>> -> memref<128xi32, #tpu.memory_space<vmem>>
    %dma_start3A_180 = arith.constant 0 : i32
    %dma_start3A_181 = tpu.memref_slice %arg2[%dma_start3A_180] : memref<81600000xf32, #tpu.memory_space<hbm>> -> memref<81600000xf32, #tpu.memory_space<hbm>>
    tpu.enqueue_indirect_dma source(%dma_start3A_181 : memref<81600000xf32, #tpu.memory_space<hbm>>) target(%dma_start3A_176 : memref<128xf32, #tpu.memory_space<vmem>>) offsets(%dma_start3A_179 : memref<128xi32, #tpu.memory_space<vmem>>) semaphore(%arg17 : memref<!tpu.dma_semaphore, #tpu.memory_space<semaphore_mem>>)
    %dma_start3A_182 = arith.constant 14 : i32
    %dma_start3A_183 = arith.constant 14 : i32
    %dma_start3A_184 = arith.constant 0 : i32
    %dma_start3A_185 = tpu.memref_slice %arg14[%dma_start3A_183, %dma_start3A_184] : memref<32x128xf32, #tpu.memory_space<vmem>> -> memref<1x128xf32, #tpu.memory_space<vmem>>
    %dma_start3A_186 = tpu.memref_squeeze %dma_start3A_185 : memref<1x128xf32, #tpu.memory_space<vmem>> -> memref<128xf32, #tpu.memory_space<vmem>>
    %dma_start3A_187 = arith.constant 0 : i32
    %dma_start3A_188 = tpu.memref_slice %arg13[%dma_start3A_182, %dma_start3A_187] : memref<32x128xi32, #tpu.memory_space<vmem>> -> memref<1x128xi32, #tpu.memory_space<vmem>>
    %dma_start3A_189 = tpu.memref_squeeze %dma_start3A_188 : memref<1x128xi32, #tpu.memory_space<vmem>> -> memref<128xi32, #tpu.memory_space<vmem>>
    %dma_start3A_190 = arith.constant 0 : i32
    %dma_start3A_191 = tpu.memref_slice %arg2[%dma_start3A_190] : memref<81600000xf32, #tpu.memory_space<hbm>> -> memref<81600000xf32, #tpu.memory_space<hbm>>
    tpu.enqueue_indirect_dma source(%dma_start3A_191 : memref<81600000xf32, #tpu.memory_space<hbm>>) target(%dma_start3A_186 : memref<128xf32, #tpu.memory_space<vmem>>) offsets(%dma_start3A_189 : memref<128xi32, #tpu.memory_space<vmem>>) semaphore(%arg17 : memref<!tpu.dma_semaphore, #tpu.memory_space<semaphore_mem>>)
    %dma_start3A_192 = arith.constant 15 : i32
    %dma_start3A_193 = arith.constant 15 : i32
    %dma_start3A_194 = arith.constant 0 : i32
    %dma_start3A_195 = tpu.memref_slice %arg14[%dma_start3A_193, %dma_start3A_194] : memref<32x128xf32, #tpu.memory_space<vmem>> -> memref<1x128xf32, #tpu.memory_space<vmem>>
    %dma_start3A_196 = tpu.memref_squeeze %dma_start3A_195 : memref<1x128xf32, #tpu.memory_space<vmem>> -> memref<128xf32, #tpu.memory_space<vmem>>
    %dma_start3A_197 = arith.constant 0 : i32
    %dma_start3A_198 = tpu.memref_slice %arg13[%dma_start3A_192, %dma_start3A_197] : memref<32x128xi32, #tpu.memory_space<vmem>> -> memref<1x128xi32, #tpu.memory_space<vmem>>
    %dma_start3A_199 = tpu.memref_squeeze %dma_start3A_198 : memref<1x128xi32, #tpu.memory_space<vmem>> -> memref<128xi32, #tpu.memory_space<vmem>>
    %dma_start3A_200 = arith.constant 0 : i32
    %dma_start3A_201 = tpu.memref_slice %arg2[%dma_start3A_200] : memref<81600000xf32, #tpu.memory_space<hbm>> -> memref<81600000xf32, #tpu.memory_space<hbm>>
    tpu.enqueue_indirect_dma source(%dma_start3A_201 : memref<81600000xf32, #tpu.memory_space<hbm>>) target(%dma_start3A_196 : memref<128xf32, #tpu.memory_space<vmem>>) offsets(%dma_start3A_199 : memref<128xi32, #tpu.memory_space<vmem>>) semaphore(%arg17 : memref<!tpu.dma_semaphore, #tpu.memory_space<semaphore_mem>>)
    %scan3A_202 = arith.constant 0 : i32
    %scan3A_203 = arith.constant 0 : i32
    %scan3A_204 = arith.constant 30 : i32
    %scan3A_205 = arith.addi %scan3A_203, %scan3A_204 : i32
    %scan3A_206 = arith.constant 1 : i32
    scf.for %scan3A_394 = %scan3A_203 to %scan3A_205 step %scan3A_206  : i32 {
      %add3A_395 = arith.constant 2 : i32
      %add3A_396 = arith.addi %scan3A_394, %add3A_395 : i32
      %mul3A_397 = arith.constant 16 : i32
      %mul3A_398 = arith.muli %add3A_396, %mul3A_397 : i32
      %get3A_399 = arith.index_cast %mul3A_398 : i32 to index
      %get3A_400 = tpu.vector_load %arg11[%get3A_399] {strides = array<i32>} : memref<512xi32, #tpu.memory_space<vmem>>, vector<16xi32>,
      %mul3A_401 = arith.constant 16 : i32
      %mul3A_402 = arith.muli %add3A_396, %mul3A_401 : i32
      %get3A_403 = arith.index_cast %mul3A_402 : i32 to index
      %get3A_404 = tpu.vector_load %arg8[%get3A_403] {strides = array<i32>} : memref<512xi32, #tpu.memory_space<vmem>>, vector<16xi32>,
      %mul3A_405 = arith.constant 16 : i32
      %mul3A_406 = arith.muli %add3A_396, %mul3A_405 : i32
      %get3A_407 = arith.index_cast %mul3A_406 : i32 to index
      %get3A_408 = tpu.vector_load %arg9[%get3A_407] {strides = array<i32>} : memref<512xi32, #tpu.memory_space<vmem>>, vector<16xi32>,
      %mul3A_409 = arith.constant 1600000 : i32
      %mul3A_410 = vector.broadcast %mul3A_409 : i32 to vector<16xi32>
      %mul3A_411 = arith.muli %get3A_400, %mul3A_410 : vector<16xi32>
      %add3A_412 = arith.constant 1600000 : i32
      %add3A_413 = vector.broadcast %add3A_412 : i32 to vector<16xi32>
      %add3A_414 = arith.addi %mul3A_411, %add3A_413 : vector<16xi32>
      %and3A = arith.constant 3 : i32
      %and3A_415 = arith.andi %add3A_396, %and3A : i32
      %mul3A_416 = arith.constant 8 : i32
      %mul3A_417 = arith.muli %and3A_415, %mul3A_416 : i32
      %scan3A_418 = arith.constant 0 : i32
      %scan3A_419 = arith.constant 0 : i32
      %scan3A_420 = arith.constant 16 : i32
      %scan3A_421 = arith.addi %scan3A_419, %scan3A_420 : i32
      %scan3A_422 = arith.constant 1 : i32
      scf.for %scan3A_607 = %scan3A_419 to %scan3A_421 step %scan3A_422  : i32 {
        %shift_right_arithmetic3A = arith.constant 1 : i32
        %shift_right_arithmetic3A_608 = arith.shrsi %scan3A_607, %shift_right_arithmetic3A : i32
        %add3A_609 = arith.addi %mul3A_417, %shift_right_arithmetic3A_608 : i32
        %and3A_610 = arith.constant 1 : i32
        %and3A_611 = arith.andi %scan3A_607, %and3A_610 : i32
        %mul3A_612 = arith.constant 64 : i32
        %mul3A_613 = arith.muli %and3A_611, %mul3A_612 : i32
        %mul3A_614 = arith.constant 100000 : i32
        %mul3A_615 = arith.muli %scan3A_607, %mul3A_614 : i32
        %add3A_616 = vector.broadcast %mul3A_615 : i32 to vector<16xi32>
        %add3A_617 = arith.addi %get3A_404, %add3A_616 : vector<16xi32>
        %add3A_618 = vector.broadcast %mul3A_615 : i32 to vector<16xi32>
        %add3A_619 = arith.addi %get3A_408, %add3A_618 : vector<16xi32>
        %add3A_620 = arith.addi %mul3A_411, %add3A_617 : vector<16xi32>
        %swap3A_621 = arith.index_cast %add3A_609 : i32 to index
        %swap3A_622 = arith.index_cast %mul3A_613 : i32 to index
        %swap3A_623 = tpu.vector_load %arg13[%swap3A_621, %swap3A_622] {strides = array<i32>} : memref<32x128xi32, #tpu.memory_space<vmem>>, vector<16xi32>,
        tpu.vector_store %arg13[%swap3A_621, %swap3A_622], %add3A_620 {strides = array<i32>} : memref<32x128xi32, #tpu.memory_space<vmem>>, vector<16xi32>,
        %add3A_624 = arith.addi %add3A_414, %add3A_617 : vector<16xi32>
        %add3A_625 = arith.constant 16 : i32
        %add3A_626 = arith.addi %mul3A_613, %add3A_625 : i32
        %swap3A_627 = arith.index_cast %add3A_609 : i32 to index
        %swap3A_628 = arith.index_cast %add3A_626 : i32 to index
        %swap3A_629 = tpu.vector_load %arg13[%swap3A_627, %swap3A_628] {strides = array<i32>} : memref<32x128xi32, #tpu.memory_space<vmem>>, vector<16xi32>,
        tpu.vector_store %arg13[%swap3A_627, %swap3A_628], %add3A_624 {strides = array<i32>} : memref<32x128xi32, #tpu.memory_space<vmem>>, vector<16xi32>,
        %add3A_630 = arith.addi %mul3A_411, %add3A_619 : vector<16xi32>
        %add3A_631 = arith.constant 32 : i32
        %add3A_632 = arith.addi %mul3A_613, %add3A_631 : i32
        %swap3A_633 = arith.index_cast %add3A_609 : i32 to index
        %swap3A_634 = arith.index_cast %add3A_632 : i32 to index
        %swap3A_635 = tpu.vector_load %arg13[%swap3A_633, %swap3A_634] {strides = array<i32>} : memref<32x128xi32, #tpu.memory_space<vmem>>, vector<16xi32>,
        tpu.vector_store %arg13[%swap3A_633, %swap3A_634], %add3A_630 {strides = array<i32>} : memref<32x128xi32, #tpu.memory_space<vmem>>, vector<16xi32>,
        %add3A_636 = arith.addi %add3A_414, %add3A_619 : vector<16xi32>
        %add3A_637 = arith.constant 48 : i32
        %add3A_638 = arith.addi %mul3A_613, %add3A_637 : i32
        %swap3A_639 = arith.index_cast %add3A_609 : i32 to index
        %swap3A_640 = arith.index_cast %add3A_638 : i32 to index
        %swap3A_641 = tpu.vector_load %arg13[%swap3A_639, %swap3A_640] {strides = array<i32>} : memref<32x128xi32, #tpu.memory_space<vmem>>, vector<16xi32>,
        tpu.vector_store %arg13[%swap3A_639, %swap3A_640], %add3A_636 {strides = array<i32>} : memref<32x128xi32, #tpu.memory_space<vmem>>, vector<16xi32>,
      }
      %scan3A_423 = arith.constant 16 : i32
      %add3A_424 = arith.constant 0 : i32
      %add3A_425 = arith.addi %mul3A_417, %add3A_424 : i32
      %dma_start3A_426 = arith.constant 0 : i32
      %dma_start3A_427 = tpu.memref_slice %arg14[%add3A_425, %dma_start3A_426] : memref<32x128xf32, #tpu.memory_space<vmem>> -> memref<1x128xf32, #tpu.memory_space<vmem>>
      %dma_start3A_428 = tpu.memref_squeeze %dma_start3A_427 : memref<1x128xf32, #tpu.memory_space<vmem>> -> memref<128xf32, #tpu.memory_space<vmem>>
      %dma_start3A_429 = arith.constant 0 : i32
      %dma_start3A_430 = tpu.memref_slice %arg13[%add3A_425, %dma_start3A_429] : memref<32x128xi32, #tpu.memory_space<vmem>> -> memref<1x128xi32, #tpu.memory_space<vmem>>
      %dma_start3A_431 = tpu.memref_squeeze %dma_start3A_430 : memref<1x128xi32, #tpu.memory_space<vmem>> -> memref<128xi32, #tpu.memory_space<vmem>>
      %dma_start3A_432 = arith.constant 0 : i32
      %dma_start3A_433 = tpu.memref_slice %arg2[%dma_start3A_432] : memref<81600000xf32, #tpu.memory_space<hbm>> -> memref<81600000xf32, #tpu.memory_space<hbm>>
      tpu.enqueue_indirect_dma source(%dma_start3A_433 : memref<81600000xf32, #tpu.memory_space<hbm>>) target(%dma_start3A_428 : memref<128xf32, #tpu.memory_space<vmem>>) offsets(%dma_start3A_431 : memref<128xi32, #tpu.memory_space<vmem>>) semaphore(%arg17 : memref<!tpu.dma_semaphore, #tpu.memory_space<semaphore_mem>>)
      %add3A_434 = arith.constant 1 : i32
      %add3A_435 = arith.addi %mul3A_417, %add3A_434 : i32
      %dma_start3A_436 = arith.constant 0 : i32
      %dma_start3A_437 = tpu.memref_slice %arg14[%add3A_435, %dma_start3A_436] : memref<32x128xf32, #tpu.memory_space<vmem>> -> memref<1x128xf32, #tpu.memory_space<vmem>>
      %dma_start3A_438 = tpu.memref_squeeze %dma_start3A_437 : memref<1x128xf32, #tpu.memory_space<vmem>> -> memref<128xf32, #tpu.memory_space<vmem>>
      %dma_start3A_439 = arith.constant 0 : i32
      %dma_start3A_440 = tpu.memref_slice %arg13[%add3A_435, %dma_start3A_439] : memref<32x128xi32, #tpu.memory_space<vmem>> -> memref<1x128xi32, #tpu.memory_space<vmem>>
      %dma_start3A_441 = tpu.memref_squeeze %dma_start3A_440 : memref<1x128xi32, #tpu.memory_space<vmem>> -> memref<128xi32, #tpu.memory_space<vmem>>
      %dma_start3A_442 = arith.constant 0 : i32
      %dma_start3A_443 = tpu.memref_slice %arg2[%dma_start3A_442] : memref<81600000xf32, #tpu.memory_space<hbm>> -> memref<81600000xf32, #tpu.memory_space<hbm>>
      tpu.enqueue_indirect_dma source(%dma_start3A_443 : memref<81600000xf32, #tpu.memory_space<hbm>>) target(%dma_start3A_438 : memref<128xf32, #tpu.memory_space<vmem>>) offsets(%dma_start3A_441 : memref<128xi32, #tpu.memory_space<vmem>>) semaphore(%arg17 : memref<!tpu.dma_semaphore, #tpu.memory_space<semaphore_mem>>)
      %add3A_444 = arith.constant 2 : i32
      %add3A_445 = arith.addi %mul3A_417, %add3A_444 : i32
      %dma_start3A_446 = arith.constant 0 : i32
      %dma_start3A_447 = tpu.memref_slice %arg14[%add3A_445, %dma_start3A_446] : memref<32x128xf32, #tpu.memory_space<vmem>> -> memref<1x128xf32, #tpu.memory_space<vmem>>
      %dma_start3A_448 = tpu.memref_squeeze %dma_start3A_447 : memref<1x128xf32, #tpu.memory_space<vmem>> -> memref<128xf32, #tpu.memory_space<vmem>>
      %dma_start3A_449 = arith.constant 0 : i32
      %dma_start3A_450 = tpu.memref_slice %arg13[%add3A_445, %dma_start3A_449] : memref<32x128xi32, #tpu.memory_space<vmem>> -> memref<1x128xi32, #tpu.memory_space<vmem>>
      %dma_start3A_451 = tpu.memref_squeeze %dma_start3A_450 : memref<1x128xi32, #tpu.memory_space<vmem>> -> memref<128xi32, #tpu.memory_space<vmem>>
      %dma_start3A_452 = arith.constant 0 : i32
      %dma_start3A_453 = tpu.memref_slice %arg2[%dma_start3A_452] : memref<81600000xf32, #tpu.memory_space<hbm>> -> memref<81600000xf32, #tpu.memory_space<hbm>>
      tpu.enqueue_indirect_dma source(%dma_start3A_453 : memref<81600000xf32, #tpu.memory_space<hbm>>) target(%dma_start3A_448 : memref<128xf32, #tpu.memory_space<vmem>>) offsets(%dma_start3A_451 : memref<128xi32, #tpu.memory_space<vmem>>) semaphore(%arg17 : memref<!tpu.dma_semaphore, #tpu.memory_space<semaphore_mem>>)
      %add3A_454 = arith.constant 3 : i32
      %add3A_455 = arith.addi %mul3A_417, %add3A_454 : i32
      %dma_start3A_456 = arith.constant 0 : i32
      %dma_start3A_457 = tpu.memref_slice %arg14[%add3A_455, %dma_start3A_456] : memref<32x128xf32, #tpu.memory_space<vmem>> -> memref<1x128xf32, #tpu.memory_space<vmem>>
      %dma_start3A_458 = tpu.memref_squeeze %dma_start3A_457 : memref<1x128xf32, #tpu.memory_space<vmem>> -> memref<128xf32, #tpu.memory_space<vmem>>
      %dma_start3A_459 = arith.constant 0 : i32
      %dma_start3A_460 = tpu.memref_slice %arg13[%add3A_455, %dma_start3A_459] : memref<32x128xi32, #tpu.memory_space<vmem>> -> memref<1x128xi32, #tpu.memory_space<vmem>>
      %dma_start3A_461 = tpu.memref_squeeze %dma_start3A_460 : memref<1x128xi32, #tpu.memory_space<vmem>> -> memref<128xi32, #tpu.memory_space<vmem>>
      %dma_start3A_462 = arith.constant 0 : i32
      %dma_start3A_463 = tpu.memref_slice %arg2[%dma_start3A_462] : memref<81600000xf32, #tpu.memory_space<hbm>> -> memref<81600000xf32, #tpu.memory_space<hbm>>
      tpu.enqueue_indirect_dma source(%dma_start3A_463 : memref<81600000xf32, #tpu.memory_space<hbm>>) target(%dma_start3A_458 : memref<128xf32, #tpu.memory_space<vmem>>) offsets(%dma_start3A_461 : memref<128xi32, #tpu.memory_space<vmem>>) semaphore(%arg17 : memref<!tpu.dma_semaphore, #tpu.memory_space<semaphore_mem>>)
      %add3A_464 = arith.constant 4 : i32
      %add3A_465 = arith.addi %mul3A_417, %add3A_464 : i32
      %dma_start3A_466 = arith.constant 0 : i32
      %dma_start3A_467 = tpu.memref_slice %arg14[%add3A_465, %dma_start3A_466] : memref<32x128xf32, #tpu.memory_space<vmem>> -> memref<1x128xf32, #tpu.memory_space<vmem>>
      %dma_start3A_468 = tpu.memref_squeeze %dma_start3A_467 : memref<1x128xf32, #tpu.memory_space<vmem>> -> memref<128xf32, #tpu.memory_space<vmem>>
      %dma_start3A_469 = arith.constant 0 : i32
      %dma_start3A_470 = tpu.memref_slice %arg13[%add3A_465, %dma_start3A_469] : memref<32x128xi32, #tpu.memory_space<vmem>> -> memref<1x128xi32, #tpu.memory_space<vmem>>
      %dma_start3A_471 = tpu.memref_squeeze %dma_start3A_470 : memref<1x128xi32, #tpu.memory_space<vmem>> -> memref<128xi32, #tpu.memory_space<vmem>>
      %dma_start3A_472 = arith.constant 0 : i32
      %dma_start3A_473 = tpu.memref_slice %arg2[%dma_start3A_472] : memref<81600000xf32, #tpu.memory_space<hbm>> -> memref<81600000xf32, #tpu.memory_space<hbm>>
      tpu.enqueue_indirect_dma source(%dma_start3A_473 : memref<81600000xf32, #tpu.memory_space<hbm>>) target(%dma_start3A_468 : memref<128xf32, #tpu.memory_space<vmem>>) offsets(%dma_start3A_471 : memref<128xi32, #tpu.memory_space<vmem>>) semaphore(%arg17 : memref<!tpu.dma_semaphore, #tpu.memory_space<semaphore_mem>>)
      %add3A_474 = arith.constant 5 : i32
      %add3A_475 = arith.addi %mul3A_417, %add3A_474 : i32
      %dma_start3A_476 = arith.constant 0 : i32
      %dma_start3A_477 = tpu.memref_slice %arg14[%add3A_475, %dma_start3A_476] : memref<32x128xf32, #tpu.memory_space<vmem>> -> memref<1x128xf32, #tpu.memory_space<vmem>>
      %dma_start3A_478 = tpu.memref_squeeze %dma_start3A_477 : memref<1x128xf32, #tpu.memory_space<vmem>> -> memref<128xf32, #tpu.memory_space<vmem>>
      %dma_start3A_479 = arith.constant 0 : i32
      %dma_start3A_480 = tpu.memref_slice %arg13[%add3A_475, %dma_start3A_479] : memref<32x128xi32, #tpu.memory_space<vmem>> -> memref<1x128xi32, #tpu.memory_space<vmem>>
      %dma_start3A_481 = tpu.memref_squeeze %dma_start3A_480 : memref<1x128xi32, #tpu.memory_space<vmem>> -> memref<128xi32, #tpu.memory_space<vmem>>
      %dma_start3A_482 = arith.constant 0 : i32
      %dma_start3A_483 = tpu.memref_slice %arg2[%dma_start3A_482] : memref<81600000xf32, #tpu.memory_space<hbm>> -> memref<81600000xf32, #tpu.memory_space<hbm>>
      tpu.enqueue_indirect_dma source(%dma_start3A_483 : memref<81600000xf32, #tpu.memory_space<hbm>>) target(%dma_start3A_478 : memref<128xf32, #tpu.memory_space<vmem>>) offsets(%dma_start3A_481 : memref<128xi32, #tpu.memory_space<vmem>>) semaphore(%arg17 : memref<!tpu.dma_semaphore, #tpu.memory_space<semaphore_mem>>)
      %add3A_484 = arith.constant 6 : i32
      %add3A_485 = arith.addi %mul3A_417, %add3A_484 : i32
      %dma_start3A_486 = arith.constant 0 : i32
      %dma_start3A_487 = tpu.memref_slice %arg14[%add3A_485, %dma_start3A_486] : memref<32x128xf32, #tpu.memory_space<vmem>> -> memref<1x128xf32, #tpu.memory_space<vmem>>
      %dma_start3A_488 = tpu.memref_squeeze %dma_start3A_487 : memref<1x128xf32, #tpu.memory_space<vmem>> -> memref<128xf32, #tpu.memory_space<vmem>>
      %dma_start3A_489 = arith.constant 0 : i32
      %dma_start3A_490 = tpu.memref_slice %arg13[%add3A_485, %dma_start3A_489] : memref<32x128xi32, #tpu.memory_space<vmem>> -> memref<1x128xi32, #tpu.memory_space<vmem>>
      %dma_start3A_491 = tpu.memref_squeeze %dma_start3A_490 : memref<1x128xi32, #tpu.memory_space<vmem>> -> memref<128xi32, #tpu.memory_space<vmem>>
      %dma_start3A_492 = arith.constant 0 : i32
      %dma_start3A_493 = tpu.memref_slice %arg2[%dma_start3A_492] : memref<81600000xf32, #tpu.memory_space<hbm>> -> memref<81600000xf32, #tpu.memory_space<hbm>>
      tpu.enqueue_indirect_dma source(%dma_start3A_493 : memref<81600000xf32, #tpu.memory_space<hbm>>) target(%dma_start3A_488 : memref<128xf32, #tpu.memory_space<vmem>>) offsets(%dma_start3A_491 : memref<128xi32, #tpu.memory_space<vmem>>) semaphore(%arg17 : memref<!tpu.dma_semaphore, #tpu.memory_space<semaphore_mem>>)
      %add3A_494 = arith.constant 7 : i32
      %add3A_495 = arith.addi %mul3A_417, %add3A_494 : i32
      %dma_start3A_496 = arith.constant 0 : i32
      %dma_start3A_497 = tpu.memref_slice %arg14[%add3A_495, %dma_start3A_496] : memref<32x128xf32, #tpu.memory_space<vmem>> -> memref<1x128xf32, #tpu.memory_space<vmem>>
      %dma_start3A_498 = tpu.memref_squeeze %dma_start3A_497 : memref<1x128xf32, #tpu.memory_space<vmem>> -> memref<128xf32, #tpu.memory_space<vmem>>
      %dma_start3A_499 = arith.constant 0 : i32
      %dma_start3A_500 = tpu.memref_slice %arg13[%add3A_495, %dma_start3A_499] : memref<32x128xi32, #tpu.memory_space<vmem>> -> memref<1x128xi32, #tpu.memory_space<vmem>>
      %dma_start3A_501 = tpu.memref_squeeze %dma_start3A_500 : memref<1x128xi32, #tpu.memory_space<vmem>> -> memref<128xi32, #tpu.memory_space<vmem>>
      %dma_start3A_502 = arith.constant 0 : i32
      %dma_start3A_503 = tpu.memref_slice %arg2[%dma_start3A_502] : memref<81600000xf32, #tpu.memory_space<hbm>> -> memref<81600000xf32, #tpu.memory_space<hbm>>
      tpu.enqueue_indirect_dma source(%dma_start3A_503 : memref<81600000xf32, #tpu.memory_space<hbm>>) target(%dma_start3A_498 : memref<128xf32, #tpu.memory_space<vmem>>) offsets(%dma_start3A_501 : memref<128xi32, #tpu.memory_space<vmem>>) semaphore(%arg17 : memref<!tpu.dma_semaphore, #tpu.memory_space<semaphore_mem>>)
      %and3A_504 = arith.constant 3 : i32
      %and3A_505 = arith.andi %scan3A_394, %and3A_504 : i32
      %mul3A_506 = arith.constant 8 : i32
      %mul3A_507 = arith.muli %and3A_505, %mul3A_506 : i32
      %add3A_508 = arith.constant 0 : i32
      %add3A_509 = arith.addi %mul3A_507, %add3A_508 : i32
      %dma_wait3A_510 = arith.constant 0 : i32
      %dma_wait3A_511 = tpu.memref_slice %arg14[%add3A_509, %dma_wait3A_510] : memref<32x128xf32, #tpu.memory_space<vmem>> -> memref<1x128xf32, #tpu.memory_space<vmem>>
      %dma_wait3A_512 = tpu.memref_squeeze %dma_wait3A_511 : memref<1x128xf32, #tpu.memory_space<vmem>> -> memref<128xf32, #tpu.memory_space<vmem>>
      %dma_wait3A_513 = arith.constant 0 : i32
      %dma_wait3A_514 = tpu.memref_slice %arg13[%add3A_509, %dma_wait3A_513] : memref<32x128xi32, #tpu.memory_space<vmem>> -> memref<1x128xi32, #tpu.memory_space<vmem>>
      %dma_wait3A_515 = tpu.memref_squeeze %dma_wait3A_514 : memref<1x128xi32, #tpu.memory_space<vmem>> -> memref<128xi32, #tpu.memory_space<vmem>>
      %dma_wait3A_516 = arith.constant 0 : i32
      %dma_wait3A_517 = tpu.memref_slice %arg2[%dma_wait3A_516] : memref<81600000xf32, #tpu.memory_space<hbm>> -> memref<81600000xf32, #tpu.memory_space<hbm>>
      tpu.wait_indirect_dma semaphore(%arg17 : memref<!tpu.dma_semaphore, #tpu.memory_space<semaphore_mem>>) src(%dma_wait3A_517 : memref<81600000xf32, #tpu.memory_space<hbm>>) dst(%dma_wait3A_512 : memref<128xf32, #tpu.memory_space<vmem>>)
      %add3A_518 = arith.constant 1 : i32
      %add3A_519 = arith.addi %mul3A_507, %add3A_518 : i32
      %dma_wait3A_520 = arith.constant 0 : i32
      %dma_wait3A_521 = tpu.memref_slice %arg14[%add3A_519, %dma_wait3A_520] : memref<32x128xf32, #tpu.memory_space<vmem>> -> memref<1x128xf32, #tpu.memory_space<vmem>>
      %dma_wait3A_522 = tpu.memref_squeeze %dma_wait3A_521 : memref<1x128xf32, #tpu.memory_space<vmem>> -> memref<128xf32, #tpu.memory_space<vmem>>
      %dma_wait3A_523 = arith.constant 0 : i32
      %dma_wait3A_524 = tpu.memref_slice %arg13[%add3A_519, %dma_wait3A_523] : memref<32x128xi32, #tpu.memory_space<vmem>> -> memref<1x128xi32, #tpu.memory_space<vmem>>
      %dma_wait3A_525 = tpu.memref_squeeze %dma_wait3A_524 : memref<1x128xi32, #tpu.memory_space<vmem>> -> memref<128xi32, #tpu.memory_space<vmem>>
      %dma_wait3A_526 = arith.constant 0 : i32
      %dma_wait3A_527 = tpu.memref_slice %arg2[%dma_wait3A_526] : memref<81600000xf32, #tpu.memory_space<hbm>> -> memref<81600000xf32, #tpu.memory_space<hbm>>
      tpu.wait_indirect_dma semaphore(%arg17 : memref<!tpu.dma_semaphore, #tpu.memory_space<semaphore_mem>>) src(%dma_wait3A_527 : memref<81600000xf32, #tpu.memory_space<hbm>>) dst(%dma_wait3A_522 : memref<128xf32, #tpu.memory_space<vmem>>)
      %add3A_528 = arith.constant 2 : i32
      %add3A_529 = arith.addi %mul3A_507, %add3A_528 : i32
      %dma_wait3A_530 = arith.constant 0 : i32
      %dma_wait3A_531 = tpu.memref_slice %arg14[%add3A_529, %dma_wait3A_530] : memref<32x128xf32, #tpu.memory_space<vmem>> -> memref<1x128xf32, #tpu.memory_space<vmem>>
      %dma_wait3A_532 = tpu.memref_squeeze %dma_wait3A_531 : memref<1x128xf32, #tpu.memory_space<vmem>> -> memref<128xf32, #tpu.memory_space<vmem>>
      %dma_wait3A_533 = arith.constant 0 : i32
      %dma_wait3A_534 = tpu.memref_slice %arg13[%add3A_529, %dma_wait3A_533] : memref<32x128xi32, #tpu.memory_space<vmem>> -> memref<1x128xi32, #tpu.memory_space<vmem>>
      %dma_wait3A_535 = tpu.memref_squeeze %dma_wait3A_534 : memref<1x128xi32, #tpu.memory_space<vmem>> -> memref<128xi32, #tpu.memory_space<vmem>>
      %dma_wait3A_536 = arith.constant 0 : i32
      %dma_wait3A_537 = tpu.memref_slice %arg2[%dma_wait3A_536] : memref<81600000xf32, #tpu.memory_space<hbm>> -> memref<81600000xf32, #tpu.memory_space<hbm>>
      tpu.wait_indirect_dma semaphore(%arg17 : memref<!tpu.dma_semaphore, #tpu.memory_space<semaphore_mem>>) src(%dma_wait3A_537 : memref<81600000xf32, #tpu.memory_space<hbm>>) dst(%dma_wait3A_532 : memref<128xf32, #tpu.memory_space<vmem>>)
      %add3A_538 = arith.constant 3 : i32
      %add3A_539 = arith.addi %mul3A_507, %add3A_538 : i32
      %dma_wait3A_540 = arith.constant 0 : i32
      %dma_wait3A_541 = tpu.memref_slice %arg14[%add3A_539, %dma_wait3A_540] : memref<32x128xf32, #tpu.memory_space<vmem>> -> memref<1x128xf32, #tpu.memory_space<vmem>>
      %dma_wait3A_542 = tpu.memref_squeeze %dma_wait3A_541 : memref<1x128xf32, #tpu.memory_space<vmem>> -> memref<128xf32, #tpu.memory_space<vmem>>
      %dma_wait3A_543 = arith.constant 0 : i32
      %dma_wait3A_544 = tpu.memref_slice %arg13[%add3A_539, %dma_wait3A_543] : memref<32x128xi32, #tpu.memory_space<vmem>> -> memref<1x128xi32, #tpu.memory_space<vmem>>
      %dma_wait3A_545 = tpu.memref_squeeze %dma_wait3A_544 : memref<1x128xi32, #tpu.memory_space<vmem>> -> memref<128xi32, #tpu.memory_space<vmem>>
      %dma_wait3A_546 = arith.constant 0 : i32
      %dma_wait3A_547 = tpu.memref_slice %arg2[%dma_wait3A_546] : memref<81600000xf32, #tpu.memory_space<hbm>> -> memref<81600000xf32, #tpu.memory_space<hbm>>
      tpu.wait_indirect_dma semaphore(%arg17 : memref<!tpu.dma_semaphore, #tpu.memory_space<semaphore_mem>>) src(%dma_wait3A_547 : memref<81600000xf32, #tpu.memory_space<hbm>>) dst(%dma_wait3A_542 : memref<128xf32, #tpu.memory_space<vmem>>)
      %add3A_548 = arith.constant 4 : i32
      %add3A_549 = arith.addi %mul3A_507, %add3A_548 : i32
      %dma_wait3A_550 = arith.constant 0 : i32
      %dma_wait3A_551 = tpu.memref_slice %arg14[%add3A_549, %dma_wait3A_550] : memref<32x128xf32, #tpu.memory_space<vmem>> -> memref<1x128xf32, #tpu.memory_space<vmem>>
      %dma_wait3A_552 = tpu.memref_squeeze %dma_wait3A_551 : memref<1x128xf32, #tpu.memory_space<vmem>> -> memref<128xf32, #tpu.memory_space<vmem>>
      %dma_wait3A_553 = arith.constant 0 : i32
      %dma_wait3A_554 = tpu.memref_slice %arg13[%add3A_549, %dma_wait3A_553] : memref<32x128xi32, #tpu.memory_space<vmem>> -> memref<1x128xi32, #tpu.memory_space<vmem>>
      %dma_wait3A_555 = tpu.memref_squeeze %dma_wait3A_554 : memref<1x128xi32, #tpu.memory_space<vmem>> -> memref<128xi32, #tpu.memory_space<vmem>>
      %dma_wait3A_556 = arith.constant 0 : i32
      %dma_wait3A_557 = tpu.memref_slice %arg2[%dma_wait3A_556] : memref<81600000xf32, #tpu.memory_space<hbm>> -> memref<81600000xf32, #tpu.memory_space<hbm>>
      tpu.wait_indirect_dma semaphore(%arg17 : memref<!tpu.dma_semaphore, #tpu.memory_space<semaphore_mem>>) src(%dma_wait3A_557 : memref<81600000xf32, #tpu.memory_space<hbm>>) dst(%dma_wait3A_552 : memref<128xf32, #tpu.memory_space<vmem>>)
      %add3A_558 = arith.constant 5 : i32
      %add3A_559 = arith.addi %mul3A_507, %add3A_558 : i32
      %dma_wait3A_560 = arith.constant 0 : i32
      %dma_wait3A_561 = tpu.memref_slice %arg14[%add3A_559, %dma_wait3A_560] : memref<32x128xf32, #tpu.memory_space<vmem>> -> memref<1x128xf32, #tpu.memory_space<vmem>>
      %dma_wait3A_562 = tpu.memref_squeeze %dma_wait3A_561 : memref<1x128xf32, #tpu.memory_space<vmem>> -> memref<128xf32, #tpu.memory_space<vmem>>
      %dma_wait3A_563 = arith.constant 0 : i32
      %dma_wait3A_564 = tpu.memref_slice %arg13[%add3A_559, %dma_wait3A_563] : memref<32x128xi32, #tpu.memory_space<vmem>> -> memref<1x128xi32, #tpu.memory_space<vmem>>
      %dma_wait3A_565 = tpu.memref_squeeze %dma_wait3A_564 : memref<1x128xi32, #tpu.memory_space<vmem>> -> memref<128xi32, #tpu.memory_space<vmem>>
      %dma_wait3A_566 = arith.constant 0 : i32
      %dma_wait3A_567 = tpu.memref_slice %arg2[%dma_wait3A_566] : memref<81600000xf32, #tpu.memory_space<hbm>> -> memref<81600000xf32, #tpu.memory_space<hbm>>
      tpu.wait_indirect_dma semaphore(%arg17 : memref<!tpu.dma_semaphore, #tpu.memory_space<semaphore_mem>>) src(%dma_wait3A_567 : memref<81600000xf32, #tpu.memory_space<hbm>>) dst(%dma_wait3A_562 : memref<128xf32, #tpu.memory_space<vmem>>)
      %add3A_568 = arith.constant 6 : i32
      %add3A_569 = arith.addi %mul3A_507, %add3A_568 : i32
      %dma_wait3A_570 = arith.constant 0 : i32
      %dma_wait3A_571 = tpu.memref_slice %arg14[%add3A_569, %dma_wait3A_570] : memref<32x128xf32, #tpu.memory_space<vmem>> -> memref<1x128xf32, #tpu.memory_space<vmem>>
      %dma_wait3A_572 = tpu.memref_squeeze %dma_wait3A_571 : memref<1x128xf32, #tpu.memory_space<vmem>> -> memref<128xf32, #tpu.memory_space<vmem>>
      %dma_wait3A_573 = arith.constant 0 : i32
      %dma_wait3A_574 = tpu.memref_slice %arg13[%add3A_569, %dma_wait3A_573] : memref<32x128xi32, #tpu.memory_space<vmem>> -> memref<1x128xi32, #tpu.memory_space<vmem>>
      %dma_wait3A_575 = tpu.memref_squeeze %dma_wait3A_574 : memref<1x128xi32, #tpu.memory_space<vmem>> -> memref<128xi32, #tpu.memory_space<vmem>>
      %dma_wait3A_576 = arith.constant 0 : i32
      %dma_wait3A_577 = tpu.memref_slice %arg2[%dma_wait3A_576] : memref<81600000xf32, #tpu.memory_space<hbm>> -> memref<81600000xf32, #tpu.memory_space<hbm>>
      tpu.wait_indirect_dma semaphore(%arg17 : memref<!tpu.dma_semaphore, #tpu.memory_space<semaphore_mem>>) src(%dma_wait3A_577 : memref<81600000xf32, #tpu.memory_space<hbm>>) dst(%dma_wait3A_572 : memref<128xf32, #tpu.memory_space<vmem>>)
      %add3A_578 = arith.constant 7 : i32
      %add3A_579 = arith.addi %mul3A_507, %add3A_578 : i32
      %dma_wait3A_580 = arith.constant 0 : i32
      %dma_wait3A_581 = tpu.memref_slice %arg14[%add3A_579, %dma_wait3A_580] : memref<32x128xf32, #tpu.memory_space<vmem>> -> memref<1x128xf32, #tpu.memory_space<vmem>>
      %dma_wait3A_582 = tpu.memref_squeeze %dma_wait3A_581 : memref<1x128xf32, #tpu.memory_space<vmem>> -> memref<128xf32, #tpu.memory_space<vmem>>
      %dma_wait3A_583 = arith.constant 0 : i32
      %dma_wait3A_584 = tpu.memref_slice %arg13[%add3A_579, %dma_wait3A_583] : memref<32x128xi32, #tpu.memory_space<vmem>> -> memref<1x128xi32, #tpu.memory_space<vmem>>
      %dma_wait3A_585 = tpu.memref_squeeze %dma_wait3A_584 : memref<1x128xi32, #tpu.memory_space<vmem>> -> memref<128xi32, #tpu.memory_space<vmem>>
      %dma_wait3A_586 = arith.constant 0 : i32
      %dma_wait3A_587 = tpu.memref_slice %arg2[%dma_wait3A_586] : memref<81600000xf32, #tpu.memory_space<hbm>> -> memref<81600000xf32, #tpu.memory_space<hbm>>
      tpu.wait_indirect_dma semaphore(%arg17 : memref<!tpu.dma_semaphore, #tpu.memory_space<semaphore_mem>>) src(%dma_wait3A_587 : memref<81600000xf32, #tpu.memory_space<hbm>>) dst(%dma_wait3A_582 : memref<128xf32, #tpu.memory_space<vmem>>)
      %mul3A_588 = arith.constant 16 : i32
      %mul3A_589 = arith.muli %scan3A_394, %mul3A_588 : i32
      %get3A_590 = arith.index_cast %mul3A_589 : i32 to index
      %get3A_591 = tpu.vector_load %arg12[%get3A_590] {strides = array<i32>} : memref<512xf32, #tpu.memory_space<vmem>>, vector<16xf32>,
      %broadcast_in_dim3A_592 = arith.constant 0.000000e+00 : f32
      %broadcast_in_dim3A_593 = vector.broadcast %broadcast_in_dim3A_592 : f32 to vector<16xf32>
      %scan3A_594 = arith.constant 0 : i32
      %scan3A_595 = arith.constant 16 : i32
      %scan3A_596 = arith.addi %scan3A_594, %scan3A_595 : i32
      %scan3A_597 = arith.constant 1 : i32
      %scan3A_598 = scf.for %scan3A_607 = %scan3A_594 to %scan3A_596 step %scan3A_597 iter_args(%scan3A_608 = %broadcast_in_dim3A_593) -> (vector<16xf32>)  : i32 {
        %shift_right_arithmetic3A = arith.constant 1 : i32
        %shift_right_arithmetic3A_609 = arith.shrsi %scan3A_607, %shift_right_arithmetic3A : i32
        %add3A_610 = arith.addi %mul3A_507, %shift_right_arithmetic3A_609 : i32
        %and3A_611 = arith.constant 1 : i32
        %and3A_612 = arith.andi %scan3A_607, %and3A_611 : i32
        %mul3A_613 = arith.constant 64 : i32
        %mul3A_614 = arith.muli %and3A_612, %mul3A_613 : i32
        %get3A_615 = arith.index_cast %add3A_610 : i32 to index
        %get3A_616 = arith.index_cast %mul3A_614 : i32 to index
        %get3A_617 = tpu.vector_load %arg14[%get3A_615, %get3A_616] {strides = array<i32>} : memref<32x128xf32, #tpu.memory_space<vmem>>, vector<16xf32>,
        %add3A_618 = arith.constant 16 : i32
        %add3A_619 = arith.addi %mul3A_614, %add3A_618 : i32
        %get3A_620 = arith.index_cast %add3A_610 : i32 to index
        %get3A_621 = arith.index_cast %add3A_619 : i32 to index
        %get3A_622 = tpu.vector_load %arg14[%get3A_620, %get3A_621] {strides = array<i32>} : memref<32x128xf32, #tpu.memory_space<vmem>>, vector<16xf32>,
        %add3A_623 = arith.constant 32 : i32
        %add3A_624 = arith.addi %mul3A_614, %add3A_623 : i32
        %get3A_625 = arith.index_cast %add3A_610 : i32 to index
        %get3A_626 = arith.index_cast %add3A_624 : i32 to index
        %get3A_627 = tpu.vector_load %arg14[%get3A_625, %get3A_626] {strides = array<i32>} : memref<32x128xf32, #tpu.memory_space<vmem>>, vector<16xf32>,
        %add3A_628 = arith.constant 48 : i32
        %add3A_629 = arith.addi %mul3A_614, %add3A_628 : i32
        %get3A_630 = arith.index_cast %add3A_610 : i32 to index
        %get3A_631 = arith.index_cast %add3A_629 : i32 to index
        %get3A_632 = tpu.vector_load %arg14[%get3A_630, %get3A_631] {strides = array<i32>} : memref<32x128xf32, #tpu.memory_space<vmem>>, vector<16xf32>,
        %sub3A_633 = arith.subf %get3A_617, %get3A_627 : vector<16xf32>
        %sub3A_634 = arith.subf %get3A_622, %get3A_632 : vector<16xf32>
        %sub3A_635 = arith.subf %sub3A_634, %sub3A_633 : vector<16xf32>
        %mul3A_636 = arith.mulf %get3A_591, %sub3A_635 : vector<16xf32>
        %add3A_637 = arith.addf %sub3A_633, %mul3A_636 : vector<16xf32>
        %mul3A_638 = arith.mulf %add3A_637, %add3A_637 : vector<16xf32>
        %add3A_639 = arith.addf %scan3A_608, %mul3A_638 : vector<16xf32>
        scf.yield %add3A_639 : vector<16xf32>
      }
      %scan3A_599 = arith.constant 16 : i32
      %get3A_600 = arith.constant 0 : index
      %get3A_601 = tpu.vector_load %arg16[%get3A_600] {strides = array<i32>} : memref<16xf32, #tpu.memory_space<vmem>>, vector<16xf32>,
      %sub3A_602 = arith.subf %get3A_601, %scan3A_598 : vector<16xf32>
      %mul3A_603 = arith.constant 16 : i32
      %mul3A_604 = arith.muli %scan3A_394, %mul3A_603 : i32
      %swap3A_605 = arith.index_cast %mul3A_604 : i32 to index
      %swap3A_606 = tpu.vector_load %arg15[%swap3A_605] {strides = array<i32>} : memref<512xf32, #tpu.memory_space<vmem>>, vector<16xf32>,
      tpu.vector_store %arg15[%swap3A_605], %sub3A_602 {strides = array<i32>} : memref<512xf32, #tpu.memory_space<vmem>>, vector<16xf32>,
    }
    %scan3A_207 = arith.constant 30 : i32
    %dma_wait3A = arith.constant 16 : i32
    %dma_wait3A_208 = arith.constant 16 : i32
    %dma_wait3A_209 = arith.constant 0 : i32
    %dma_wait3A_210 = tpu.memref_slice %arg14[%dma_wait3A_208, %dma_wait3A_209] : memref<32x128xf32, #tpu.memory_space<vmem>> -> memref<1x128xf32, #tpu.memory_space<vmem>>
    %dma_wait3A_211 = tpu.memref_squeeze %dma_wait3A_210 : memref<1x128xf32, #tpu.memory_space<vmem>> -> memref<128xf32, #tpu.memory_space<vmem>>
    %dma_wait3A_212 = arith.constant 0 : i32
    %dma_wait3A_213 = tpu.memref_slice %arg13[%dma_wait3A, %dma_wait3A_212] : memref<32x128xi32, #tpu.memory_space<vmem>> -> memref<1x128xi32, #tpu.memory_space<vmem>>
    %dma_wait3A_214 = tpu.memref_squeeze %dma_wait3A_213 : memref<1x128xi32, #tpu.memory_space<vmem>> -> memref<128xi32, #tpu.memory_space<vmem>>
    %dma_wait3A_215 = arith.constant 0 : i32
    %dma_wait3A_216 = tpu.memref_slice %arg2[%dma_wait3A_215] : memref<81600000xf32, #tpu.memory_space<hbm>> -> memref<81600000xf32, #tpu.memory_space<hbm>>
    tpu.wait_indirect_dma semaphore(%arg17 : memref<!tpu.dma_semaphore, #tpu.memory_space<semaphore_mem>>) src(%dma_wait3A_216 : memref<81600000xf32, #tpu.memory_space<hbm>>) dst(%dma_wait3A_211 : memref<128xf32, #tpu.memory_space<vmem>>)
    %dma_wait3A_217 = arith.constant 17 : i32
    %dma_wait3A_218 = arith.constant 17 : i32
    %dma_wait3A_219 = arith.constant 0 : i32
    %dma_wait3A_220 = tpu.memref_slice %arg14[%dma_wait3A_218, %dma_wait3A_219] : memref<32x128xf32, #tpu.memory_space<vmem>> -> memref<1x128xf32, #tpu.memory_space<vmem>>
    %dma_wait3A_221 = tpu.memref_squeeze %dma_wait3A_220 : memref<1x128xf32, #tpu.memory_space<vmem>> -> memref<128xf32, #tpu.memory_space<vmem>>
    %dma_wait3A_222 = arith.constant 0 : i32
    %dma_wait3A_223 = tpu.memref_slice %arg13[%dma_wait3A_217, %dma_wait3A_222] : memref<32x128xi32, #tpu.memory_space<vmem>> -> memref<1x128xi32, #tpu.memory_space<vmem>>
    %dma_wait3A_224 = tpu.memref_squeeze %dma_wait3A_223 : memref<1x128xi32, #tpu.memory_space<vmem>> -> memref<128xi32, #tpu.memory_space<vmem>>
    %dma_wait3A_225 = arith.constant 0 : i32
    %dma_wait3A_226 = tpu.memref_slice %arg2[%dma_wait3A_225] : memref<81600000xf32, #tpu.memory_space<hbm>> -> memref<81600000xf32, #tpu.memory_space<hbm>>
    tpu.wait_indirect_dma semaphore(%arg17 : memref<!tpu.dma_semaphore, #tpu.memory_space<semaphore_mem>>) src(%dma_wait3A_226 : memref<81600000xf32, #tpu.memory_space<hbm>>) dst(%dma_wait3A_221 : memref<128xf32, #tpu.memory_space<vmem>>)
    %dma_wait3A_227 = arith.constant 18 : i32
    %dma_wait3A_228 = arith.constant 18 : i32
    %dma_wait3A_229 = arith.constant 0 : i32
    %dma_wait3A_230 = tpu.memref_slice %arg14[%dma_wait3A_228, %dma_wait3A_229] : memref<32x128xf32, #tpu.memory_space<vmem>> -> memref<1x128xf32, #tpu.memory_space<vmem>>
    %dma_wait3A_231 = tpu.memref_squeeze %dma_wait3A_230 : memref<1x128xf32, #tpu.memory_space<vmem>> -> memref<128xf32, #tpu.memory_space<vmem>>
    %dma_wait3A_232 = arith.constant 0 : i32
    %dma_wait3A_233 = tpu.memref_slice %arg13[%dma_wait3A_227, %dma_wait3A_232] : memref<32x128xi32, #tpu.memory_space<vmem>> -> memref<1x128xi32, #tpu.memory_space<vmem>>
    %dma_wait3A_234 = tpu.memref_squeeze %dma_wait3A_233 : memref<1x128xi32, #tpu.memory_space<vmem>> -> memref<128xi32, #tpu.memory_space<vmem>>
    %dma_wait3A_235 = arith.constant 0 : i32
    %dma_wait3A_236 = tpu.memref_slice %arg2[%dma_wait3A_235] : memref<81600000xf32, #tpu.memory_space<hbm>> -> memref<81600000xf32, #tpu.memory_space<hbm>>
    tpu.wait_indirect_dma semaphore(%arg17 : memref<!tpu.dma_semaphore, #tpu.memory_space<semaphore_mem>>) src(%dma_wait3A_236 : memref<81600000xf32, #tpu.memory_space<hbm>>) dst(%dma_wait3A_231 : memref<128xf32, #tpu.memory_space<vmem>>)
    %dma_wait3A_237 = arith.constant 19 : i32
    %dma_wait3A_238 = arith.constant 19 : i32
    %dma_wait3A_239 = arith.constant 0 : i32
    %dma_wait3A_240 = tpu.memref_slice %arg14[%dma_wait3A_238, %dma_wait3A_239] : memref<32x128xf32, #tpu.memory_space<vmem>> -> memref<1x128xf32, #tpu.memory_space<vmem>>
    %dma_wait3A_241 = tpu.memref_squeeze %dma_wait3A_240 : memref<1x128xf32, #tpu.memory_space<vmem>> -> memref<128xf32, #tpu.memory_space<vmem>>
    %dma_wait3A_242 = arith.constant 0 : i32
    %dma_wait3A_243 = tpu.memref_slice %arg13[%dma_wait3A_237, %dma_wait3A_242] : memref<32x128xi32, #tpu.memory_space<vmem>> -> memref<1x128xi32, #tpu.memory_space<vmem>>
    %dma_wait3A_244 = tpu.memref_squeeze %dma_wait3A_243 : memref<1x128xi32, #tpu.memory_space<vmem>> -> memref<128xi32, #tpu.memory_space<vmem>>
    %dma_wait3A_245 = arith.constant 0 : i32
    %dma_wait3A_246 = tpu.memref_slice %arg2[%dma_wait3A_245] : memref<81600000xf32, #tpu.memory_space<hbm>> -> memref<81600000xf32, #tpu.memory_space<hbm>>
    tpu.wait_indirect_dma semaphore(%arg17 : memref<!tpu.dma_semaphore, #tpu.memory_space<semaphore_mem>>) src(%dma_wait3A_246 : memref<81600000xf32, #tpu.memory_space<hbm>>) dst(%dma_wait3A_241 : memref<128xf32, #tpu.memory_space<vmem>>)
    %dma_wait3A_247 = arith.constant 20 : i32
    %dma_wait3A_248 = arith.constant 20 : i32
    %dma_wait3A_249 = arith.constant 0 : i32
    %dma_wait3A_250 = tpu.memref_slice %arg14[%dma_wait3A_248, %dma_wait3A_249] : memref<32x128xf32, #tpu.memory_space<vmem>> -> memref<1x128xf32, #tpu.memory_space<vmem>>
    %dma_wait3A_251 = tpu.memref_squeeze %dma_wait3A_250 : memref<1x128xf32, #tpu.memory_space<vmem>> -> memref<128xf32, #tpu.memory_space<vmem>>
    %dma_wait3A_252 = arith.constant 0 : i32
    %dma_wait3A_253 = tpu.memref_slice %arg13[%dma_wait3A_247, %dma_wait3A_252] : memref<32x128xi32, #tpu.memory_space<vmem>> -> memref<1x128xi32, #tpu.memory_space<vmem>>
    %dma_wait3A_254 = tpu.memref_squeeze %dma_wait3A_253 : memref<1x128xi32, #tpu.memory_space<vmem>> -> memref<128xi32, #tpu.memory_space<vmem>>
    %dma_wait3A_255 = arith.constant 0 : i32
    %dma_wait3A_256 = tpu.memref_slice %arg2[%dma_wait3A_255] : memref<81600000xf32, #tpu.memory_space<hbm>> -> memref<81600000xf32, #tpu.memory_space<hbm>>
    tpu.wait_indirect_dma semaphore(%arg17 : memref<!tpu.dma_semaphore, #tpu.memory_space<semaphore_mem>>) src(%dma_wait3A_256 : memref<81600000xf32, #tpu.memory_space<hbm>>) dst(%dma_wait3A_251 : memref<128xf32, #tpu.memory_space<vmem>>)
    %dma_wait3A_257 = arith.constant 21 : i32
    %dma_wait3A_258 = arith.constant 21 : i32
    %dma_wait3A_259 = arith.constant 0 : i32
    %dma_wait3A_260 = tpu.memref_slice %arg14[%dma_wait3A_258, %dma_wait3A_259] : memref<32x128xf32, #tpu.memory_space<vmem>> -> memref<1x128xf32, #tpu.memory_space<vmem>>
    %dma_wait3A_261 = tpu.memref_squeeze %dma_wait3A_260 : memref<1x128xf32, #tpu.memory_space<vmem>> -> memref<128xf32, #tpu.memory_space<vmem>>
    %dma_wait3A_262 = arith.constant 0 : i32
    %dma_wait3A_263 = tpu.memref_slice %arg13[%dma_wait3A_257, %dma_wait3A_262] : memref<32x128xi32, #tpu.memory_space<vmem>> -> memref<1x128xi32, #tpu.memory_space<vmem>>
    %dma_wait3A_264 = tpu.memref_squeeze %dma_wait3A_263 : memref<1x128xi32, #tpu.memory_space<vmem>> -> memref<128xi32, #tpu.memory_space<vmem>>
    %dma_wait3A_265 = arith.constant 0 : i32
    %dma_wait3A_266 = tpu.memref_slice %arg2[%dma_wait3A_265] : memref<81600000xf32, #tpu.memory_space<hbm>> -> memref<81600000xf32, #tpu.memory_space<hbm>>
    tpu.wait_indirect_dma semaphore(%arg17 : memref<!tpu.dma_semaphore, #tpu.memory_space<semaphore_mem>>) src(%dma_wait3A_266 : memref<81600000xf32, #tpu.memory_space<hbm>>) dst(%dma_wait3A_261 : memref<128xf32, #tpu.memory_space<vmem>>)
    %dma_wait3A_267 = arith.constant 22 : i32
    %dma_wait3A_268 = arith.constant 22 : i32
    %dma_wait3A_269 = arith.constant 0 : i32
    %dma_wait3A_270 = tpu.memref_slice %arg14[%dma_wait3A_268, %dma_wait3A_269] : memref<32x128xf32, #tpu.memory_space<vmem>> -> memref<1x128xf32, #tpu.memory_space<vmem>>
    %dma_wait3A_271 = tpu.memref_squeeze %dma_wait3A_270 : memref<1x128xf32, #tpu.memory_space<vmem>> -> memref<128xf32, #tpu.memory_space<vmem>>
    %dma_wait3A_272 = arith.constant 0 : i32
    %dma_wait3A_273 = tpu.memref_slice %arg13[%dma_wait3A_267, %dma_wait3A_272] : memref<32x128xi32, #tpu.memory_space<vmem>> -> memref<1x128xi32, #tpu.memory_space<vmem>>
    %dma_wait3A_274 = tpu.memref_squeeze %dma_wait3A_273 : memref<1x128xi32, #tpu.memory_space<vmem>> -> memref<128xi32, #tpu.memory_space<vmem>>
    %dma_wait3A_275 = arith.constant 0 : i32
    %dma_wait3A_276 = tpu.memref_slice %arg2[%dma_wait3A_275] : memref<81600000xf32, #tpu.memory_space<hbm>> -> memref<81600000xf32, #tpu.memory_space<hbm>>
    tpu.wait_indirect_dma semaphore(%arg17 : memref<!tpu.dma_semaphore, #tpu.memory_space<semaphore_mem>>) src(%dma_wait3A_276 : memref<81600000xf32, #tpu.memory_space<hbm>>) dst(%dma_wait3A_271 : memref<128xf32, #tpu.memory_space<vmem>>)
    %dma_wait3A_277 = arith.constant 23 : i32
    %dma_wait3A_278 = arith.constant 23 : i32
    %dma_wait3A_279 = arith.constant 0 : i32
    %dma_wait3A_280 = tpu.memref_slice %arg14[%dma_wait3A_278, %dma_wait3A_279] : memref<32x128xf32, #tpu.memory_space<vmem>> -> memref<1x128xf32, #tpu.memory_space<vmem>>
    %dma_wait3A_281 = tpu.memref_squeeze %dma_wait3A_280 : memref<1x128xf32, #tpu.memory_space<vmem>> -> memref<128xf32, #tpu.memory_space<vmem>>
    %dma_wait3A_282 = arith.constant 0 : i32
    %dma_wait3A_283 = tpu.memref_slice %arg13[%dma_wait3A_277, %dma_wait3A_282] : memref<32x128xi32, #tpu.memory_space<vmem>> -> memref<1x128xi32, #tpu.memory_space<vmem>>
    %dma_wait3A_284 = tpu.memref_squeeze %dma_wait3A_283 : memref<1x128xi32, #tpu.memory_space<vmem>> -> memref<128xi32, #tpu.memory_space<vmem>>
    %dma_wait3A_285 = arith.constant 0 : i32
    %dma_wait3A_286 = tpu.memref_slice %arg2[%dma_wait3A_285] : memref<81600000xf32, #tpu.memory_space<hbm>> -> memref<81600000xf32, #tpu.memory_space<hbm>>
    tpu.wait_indirect_dma semaphore(%arg17 : memref<!tpu.dma_semaphore, #tpu.memory_space<semaphore_mem>>) src(%dma_wait3A_286 : memref<81600000xf32, #tpu.memory_space<hbm>>) dst(%dma_wait3A_281 : memref<128xf32, #tpu.memory_space<vmem>>)
    %get3A_287 = arith.constant 480 : index
    %get3A_288 = tpu.vector_load %arg12[%get3A_287] {strides = array<i32>} : memref<512xf32, #tpu.memory_space<vmem>>, vector<16xf32>,
    %broadcast_in_dim3A = arith.constant 0.000000e+00 : f32
    %broadcast_in_dim3A_289 = vector.broadcast %broadcast_in_dim3A : f32 to vector<16xf32>
    %scan3A_290 = arith.constant 0 : i32
    %scan3A_291 = arith.constant 16 : i32
    %scan3A_292 = arith.addi %scan3A_290, %scan3A_291 : i32
    %scan3A_293 = arith.constant 1 : i32
    %scan3A_294 = scf.for %scan3A_394 = %scan3A_290 to %scan3A_292 step %scan3A_293 iter_args(%scan3A_395 = %broadcast_in_dim3A_289) -> (vector<16xf32>)  : i32 {
      %shift_right_arithmetic3A = arith.constant 1 : i32
      %shift_right_arithmetic3A_396 = arith.shrsi %scan3A_394, %shift_right_arithmetic3A : i32
      %add3A_397 = arith.constant 16 : i32
      %add3A_398 = arith.addi %add3A_397, %shift_right_arithmetic3A_396 : i32
      %and3A = arith.constant 1 : i32
      %and3A_399 = arith.andi %scan3A_394, %and3A : i32
      %mul3A_400 = arith.constant 64 : i32
      %mul3A_401 = arith.muli %and3A_399, %mul3A_400 : i32
      %get3A_402 = arith.index_cast %add3A_398 : i32 to index
      %get3A_403 = arith.index_cast %mul3A_401 : i32 to index
      %get3A_404 = tpu.vector_load %arg14[%get3A_402, %get3A_403] {strides = array<i32>} : memref<32x128xf32, #tpu.memory_space<vmem>>, vector<16xf32>,
      %add3A_405 = arith.constant 16 : i32
      %add3A_406 = arith.addi %mul3A_401, %add3A_405 : i32
      %get3A_407 = arith.index_cast %add3A_398 : i32 to index
      %get3A_408 = arith.index_cast %add3A_406 : i32 to index
      %get3A_409 = tpu.vector_load %arg14[%get3A_407, %get3A_408] {strides = array<i32>} : memref<32x128xf32, #tpu.memory_space<vmem>>, vector<16xf32>,
      %add3A_410 = arith.constant 32 : i32
      %add3A_411 = arith.addi %mul3A_401, %add3A_410 : i32
      %get3A_412 = arith.index_cast %add3A_398 : i32 to index
      %get3A_413 = arith.index_cast %add3A_411 : i32 to index
      %get3A_414 = tpu.vector_load %arg14[%get3A_412, %get3A_413] {strides = array<i32>} : memref<32x128xf32, #tpu.memory_space<vmem>>, vector<16xf32>,
      %add3A_415 = arith.constant 48 : i32
      %add3A_416 = arith.addi %mul3A_401, %add3A_415 : i32
      %get3A_417 = arith.index_cast %add3A_398 : i32 to index
      %get3A_418 = arith.index_cast %add3A_416 : i32 to index
      %get3A_419 = tpu.vector_load %arg14[%get3A_417, %get3A_418] {strides = array<i32>} : memref<32x128xf32, #tpu.memory_space<vmem>>, vector<16xf32>,
      %sub3A_420 = arith.subf %get3A_404, %get3A_414 : vector<16xf32>
      %sub3A_421 = arith.subf %get3A_409, %get3A_419 : vector<16xf32>
      %sub3A_422 = arith.subf %sub3A_421, %sub3A_420 : vector<16xf32>
      %mul3A_423 = arith.mulf %get3A_288, %sub3A_422 : vector<16xf32>
      %add3A_424 = arith.addf %sub3A_420, %mul3A_423 : vector<16xf32>
      %mul3A_425 = arith.mulf %add3A_424, %add3A_424 : vector<16xf32>
      %add3A_426 = arith.addf %scan3A_395, %mul3A_425 : vector<16xf32>
      scf.yield %add3A_426 : vector<16xf32>
    }
    %scan3A_295 = arith.constant 16 : i32
    %get3A_296 = arith.constant 0 : index
    %get3A_297 = tpu.vector_load %arg16[%get3A_296] {strides = array<i32>} : memref<16xf32, #tpu.memory_space<vmem>>, vector<16xf32>,
    %sub3A = arith.subf %get3A_297, %scan3A_294 : vector<16xf32>
    %swap3A = arith.constant 480 : index
    %swap3A_298 = tpu.vector_load %arg15[%swap3A] {strides = array<i32>} : memref<512xf32, #tpu.memory_space<vmem>>, vector<16xf32>,
    tpu.vector_store %arg15[%swap3A], %sub3A {strides = array<i32>} : memref<512xf32, #tpu.memory_space<vmem>>, vector<16xf32>,
    %dma_wait3A_299 = arith.constant 24 : i32
    %dma_wait3A_300 = arith.constant 24 : i32
    %dma_wait3A_301 = arith.constant 0 : i32
    %dma_wait3A_302 = tpu.memref_slice %arg14[%dma_wait3A_300, %dma_wait3A_301] : memref<32x128xf32, #tpu.memory_space<vmem>> -> memref<1x128xf32, #tpu.memory_space<vmem>>
    %dma_wait3A_303 = tpu.memref_squeeze %dma_wait3A_302 : memref<1x128xf32, #tpu.memory_space<vmem>> -> memref<128xf32, #tpu.memory_space<vmem>>
    %dma_wait3A_304 = arith.constant 0 : i32
    %dma_wait3A_305 = tpu.memref_slice %arg13[%dma_wait3A_299, %dma_wait3A_304] : memref<32x128xi32, #tpu.memory_space<vmem>> -> memref<1x128xi32, #tpu.memory_space<vmem>>
    %dma_wait3A_306 = tpu.memref_squeeze %dma_wait3A_305 : memref<1x128xi32, #tpu.memory_space<vmem>> -> memref<128xi32, #tpu.memory_space<vmem>>
    %dma_wait3A_307 = arith.constant 0 : i32
    %dma_wait3A_308 = tpu.memref_slice %arg2[%dma_wait3A_307] : memref<81600000xf32, #tpu.memory_space<hbm>> -> memref<81600000xf32, #tpu.memory_space<hbm>>
    tpu.wait_indirect_dma semaphore(%arg17 : memref<!tpu.dma_semaphore, #tpu.memory_space<semaphore_mem>>) src(%dma_wait3A_308 : memref<81600000xf32, #tpu.memory_space<hbm>>) dst(%dma_wait3A_303 : memref<128xf32, #tpu.memory_space<vmem>>)
    %dma_wait3A_309 = arith.constant 25 : i32
    %dma_wait3A_310 = arith.constant 25 : i32
    %dma_wait3A_311 = arith.constant 0 : i32
    %dma_wait3A_312 = tpu.memref_slice %arg14[%dma_wait3A_310, %dma_wait3A_311] : memref<32x128xf32, #tpu.memory_space<vmem>> -> memref<1x128xf32, #tpu.memory_space<vmem>>
    %dma_wait3A_313 = tpu.memref_squeeze %dma_wait3A_312 : memref<1x128xf32, #tpu.memory_space<vmem>> -> memref<128xf32, #tpu.memory_space<vmem>>
    %dma_wait3A_314 = arith.constant 0 : i32
    %dma_wait3A_315 = tpu.memref_slice %arg13[%dma_wait3A_309, %dma_wait3A_314] : memref<32x128xi32, #tpu.memory_space<vmem>> -> memref<1x128xi32, #tpu.memory_space<vmem>>
    %dma_wait3A_316 = tpu.memref_squeeze %dma_wait3A_315 : memref<1x128xi32, #tpu.memory_space<vmem>> -> memref<128xi32, #tpu.memory_space<vmem>>
    %dma_wait3A_317 = arith.constant 0 : i32
    %dma_wait3A_318 = tpu.memref_slice %arg2[%dma_wait3A_317] : memref<81600000xf32, #tpu.memory_space<hbm>> -> memref<81600000xf32, #tpu.memory_space<hbm>>
    tpu.wait_indirect_dma semaphore(%arg17 : memref<!tpu.dma_semaphore, #tpu.memory_space<semaphore_mem>>) src(%dma_wait3A_318 : memref<81600000xf32, #tpu.memory_space<hbm>>) dst(%dma_wait3A_313 : memref<128xf32, #tpu.memory_space<vmem>>)
    %dma_wait3A_319 = arith.constant 26 : i32
    %dma_wait3A_320 = arith.constant 26 : i32
    %dma_wait3A_321 = arith.constant 0 : i32
    %dma_wait3A_322 = tpu.memref_slice %arg14[%dma_wait3A_320, %dma_wait3A_321] : memref<32x128xf32, #tpu.memory_space<vmem>> -> memref<1x128xf32, #tpu.memory_space<vmem>>
    %dma_wait3A_323 = tpu.memref_squeeze %dma_wait3A_322 : memref<1x128xf32, #tpu.memory_space<vmem>> -> memref<128xf32, #tpu.memory_space<vmem>>
    %dma_wait3A_324 = arith.constant 0 : i32
    %dma_wait3A_325 = tpu.memref_slice %arg13[%dma_wait3A_319, %dma_wait3A_324] : memref<32x128xi32, #tpu.memory_space<vmem>> -> memref<1x128xi32, #tpu.memory_space<vmem>>
    %dma_wait3A_326 = tpu.memref_squeeze %dma_wait3A_325 : memref<1x128xi32, #tpu.memory_space<vmem>> -> memref<128xi32, #tpu.memory_space<vmem>>
    %dma_wait3A_327 = arith.constant 0 : i32
    %dma_wait3A_328 = tpu.memref_slice %arg2[%dma_wait3A_327] : memref<81600000xf32, #tpu.memory_space<hbm>> -> memref<81600000xf32, #tpu.memory_space<hbm>>
    tpu.wait_indirect_dma semaphore(%arg17 : memref<!tpu.dma_semaphore, #tpu.memory_space<semaphore_mem>>) src(%dma_wait3A_328 : memref<81600000xf32, #tpu.memory_space<hbm>>) dst(%dma_wait3A_323 : memref<128xf32, #tpu.memory_space<vmem>>)
    %dma_wait3A_329 = arith.constant 27 : i32
    %dma_wait3A_330 = arith.constant 27 : i32
    %dma_wait3A_331 = arith.constant 0 : i32
    %dma_wait3A_332 = tpu.memref_slice %arg14[%dma_wait3A_330, %dma_wait3A_331] : memref<32x128xf32, #tpu.memory_space<vmem>> -> memref<1x128xf32, #tpu.memory_space<vmem>>
    %dma_wait3A_333 = tpu.memref_squeeze %dma_wait3A_332 : memref<1x128xf32, #tpu.memory_space<vmem>> -> memref<128xf32, #tpu.memory_space<vmem>>
    %dma_wait3A_334 = arith.constant 0 : i32
    %dma_wait3A_335 = tpu.memref_slice %arg13[%dma_wait3A_329, %dma_wait3A_334] : memref<32x128xi32, #tpu.memory_space<vmem>> -> memref<1x128xi32, #tpu.memory_space<vmem>>
    %dma_wait3A_336 = tpu.memref_squeeze %dma_wait3A_335 : memref<1x128xi32, #tpu.memory_space<vmem>> -> memref<128xi32, #tpu.memory_space<vmem>>
    %dma_wait3A_337 = arith.constant 0 : i32
    %dma_wait3A_338 = tpu.memref_slice %arg2[%dma_wait3A_337] : memref<81600000xf32, #tpu.memory_space<hbm>> -> memref<81600000xf32, #tpu.memory_space<hbm>>
    tpu.wait_indirect_dma semaphore(%arg17 : memref<!tpu.dma_semaphore, #tpu.memory_space<semaphore_mem>>) src(%dma_wait3A_338 : memref<81600000xf32, #tpu.memory_space<hbm>>) dst(%dma_wait3A_333 : memref<128xf32, #tpu.memory_space<vmem>>)
    %dma_wait3A_339 = arith.constant 28 : i32
    %dma_wait3A_340 = arith.constant 28 : i32
    %dma_wait3A_341 = arith.constant 0 : i32
    %dma_wait3A_342 = tpu.memref_slice %arg14[%dma_wait3A_340, %dma_wait3A_341] : memref<32x128xf32, #tpu.memory_space<vmem>> -> memref<1x128xf32, #tpu.memory_space<vmem>>
    %dma_wait3A_343 = tpu.memref_squeeze %dma_wait3A_342 : memref<1x128xf32, #tpu.memory_space<vmem>> -> memref<128xf32, #tpu.memory_space<vmem>>
    %dma_wait3A_344 = arith.constant 0 : i32
    %dma_wait3A_345 = tpu.memref_slice %arg13[%dma_wait3A_339, %dma_wait3A_344] : memref<32x128xi32, #tpu.memory_space<vmem>> -> memref<1x128xi32, #tpu.memory_space<vmem>>
    %dma_wait3A_346 = tpu.memref_squeeze %dma_wait3A_345 : memref<1x128xi32, #tpu.memory_space<vmem>> -> memref<128xi32, #tpu.memory_space<vmem>>
    %dma_wait3A_347 = arith.constant 0 : i32
    %dma_wait3A_348 = tpu.memref_slice %arg2[%dma_wait3A_347] : memref<81600000xf32, #tpu.memory_space<hbm>> -> memref<81600000xf32, #tpu.memory_space<hbm>>
    tpu.wait_indirect_dma semaphore(%arg17 : memref<!tpu.dma_semaphore, #tpu.memory_space<semaphore_mem>>) src(%dma_wait3A_348 : memref<81600000xf32, #tpu.memory_space<hbm>>) dst(%dma_wait3A_343 : memref<128xf32, #tpu.memory_space<vmem>>)
    %dma_wait3A_349 = arith.constant 29 : i32
    %dma_wait3A_350 = arith.constant 29 : i32
    %dma_wait3A_351 = arith.constant 0 : i32
    %dma_wait3A_352 = tpu.memref_slice %arg14[%dma_wait3A_350, %dma_wait3A_351] : memref<32x128xf32, #tpu.memory_space<vmem>> -> memref<1x128xf32, #tpu.memory_space<vmem>>
    %dma_wait3A_353 = tpu.memref_squeeze %dma_wait3A_352 : memref<1x128xf32, #tpu.memory_space<vmem>> -> memref<128xf32, #tpu.memory_space<vmem>>
    %dma_wait3A_354 = arith.constant 0 : i32
    %dma_wait3A_355 = tpu.memref_slice %arg13[%dma_wait3A_349, %dma_wait3A_354] : memref<32x128xi32, #tpu.memory_space<vmem>> -> memref<1x128xi32, #tpu.memory_space<vmem>>
    %dma_wait3A_356 = tpu.memref_squeeze %dma_wait3A_355 : memref<1x128xi32, #tpu.memory_space<vmem>> -> memref<128xi32, #tpu.memory_space<vmem>>
    %dma_wait3A_357 = arith.constant 0 : i32
    %dma_wait3A_358 = tpu.memref_slice %arg2[%dma_wait3A_357] : memref<81600000xf32, #tpu.memory_space<hbm>> -> memref<81600000xf32, #tpu.memory_space<hbm>>
    tpu.wait_indirect_dma semaphore(%arg17 : memref<!tpu.dma_semaphore, #tpu.memory_space<semaphore_mem>>) src(%dma_wait3A_358 : memref<81600000xf32, #tpu.memory_space<hbm>>) dst(%dma_wait3A_353 : memref<128xf32, #tpu.memory_space<vmem>>)
    %dma_wait3A_359 = arith.constant 30 : i32
    %dma_wait3A_360 = arith.constant 30 : i32
    %dma_wait3A_361 = arith.constant 0 : i32
    %dma_wait3A_362 = tpu.memref_slice %arg14[%dma_wait3A_360, %dma_wait3A_361] : memref<32x128xf32, #tpu.memory_space<vmem>> -> memref<1x128xf32, #tpu.memory_space<vmem>>
    %dma_wait3A_363 = tpu.memref_squeeze %dma_wait3A_362 : memref<1x128xf32, #tpu.memory_space<vmem>> -> memref<128xf32, #tpu.memory_space<vmem>>
    %dma_wait3A_364 = arith.constant 0 : i32
    %dma_wait3A_365 = tpu.memref_slice %arg13[%dma_wait3A_359, %dma_wait3A_364] : memref<32x128xi32, #tpu.memory_space<vmem>> -> memref<1x128xi32, #tpu.memory_space<vmem>>
    %dma_wait3A_366 = tpu.memref_squeeze %dma_wait3A_365 : memref<1x128xi32, #tpu.memory_space<vmem>> -> memref<128xi32, #tpu.memory_space<vmem>>
    %dma_wait3A_367 = arith.constant 0 : i32
    %dma_wait3A_368 = tpu.memref_slice %arg2[%dma_wait3A_367] : memref<81600000xf32, #tpu.memory_space<hbm>> -> memref<81600000xf32, #tpu.memory_space<hbm>>
    tpu.wait_indirect_dma semaphore(%arg17 : memref<!tpu.dma_semaphore, #tpu.memory_space<semaphore_mem>>) src(%dma_wait3A_368 : memref<81600000xf32, #tpu.memory_space<hbm>>) dst(%dma_wait3A_363 : memref<128xf32, #tpu.memory_space<vmem>>)
    %dma_wait3A_369 = arith.constant 31 : i32
    %dma_wait3A_370 = arith.constant 31 : i32
    %dma_wait3A_371 = arith.constant 0 : i32
    %dma_wait3A_372 = tpu.memref_slice %arg14[%dma_wait3A_370, %dma_wait3A_371] : memref<32x128xf32, #tpu.memory_space<vmem>> -> memref<1x128xf32, #tpu.memory_space<vmem>>
    %dma_wait3A_373 = tpu.memref_squeeze %dma_wait3A_372 : memref<1x128xf32, #tpu.memory_space<vmem>> -> memref<128xf32, #tpu.memory_space<vmem>>
    %dma_wait3A_374 = arith.constant 0 : i32
    %dma_wait3A_375 = tpu.memref_slice %arg13[%dma_wait3A_369, %dma_wait3A_374] : memref<32x128xi32, #tpu.memory_space<vmem>> -> memref<1x128xi32, #tpu.memory_space<vmem>>
    %dma_wait3A_376 = tpu.memref_squeeze %dma_wait3A_375 : memref<1x128xi32, #tpu.memory_space<vmem>> -> memref<128xi32, #tpu.memory_space<vmem>>
    %dma_wait3A_377 = arith.constant 0 : i32
    %dma_wait3A_378 = tpu.memref_slice %arg2[%dma_wait3A_377] : memref<81600000xf32, #tpu.memory_space<hbm>> -> memref<81600000xf32, #tpu.memory_space<hbm>>
    tpu.wait_indirect_dma semaphore(%arg17 : memref<!tpu.dma_semaphore, #tpu.memory_space<semaphore_mem>>) src(%dma_wait3A_378 : memref<81600000xf32, #tpu.memory_space<hbm>>) dst(%dma_wait3A_373 : memref<128xf32, #tpu.memory_space<vmem>>)
    %get3A_379 = arith.constant 496 : index
    %get3A_380 = tpu.vector_load %arg12[%get3A_379] {strides = array<i32>} : memref<512xf32, #tpu.memory_space<vmem>>, vector<16xf32>,
    %broadcast_in_dim3A_381 = arith.constant 0.000000e+00 : f32
    %broadcast_in_dim3A_382 = vector.broadcast %broadcast_in_dim3A_381 : f32 to vector<16xf32>
    %scan3A_383 = arith.constant 0 : i32
    %scan3A_384 = arith.constant 16 : i32
    %scan3A_385 = arith.addi %scan3A_383, %scan3A_384 : i32
    %scan3A_386 = arith.constant 1 : i32
    %scan3A_387 = scf.for %scan3A_394 = %scan3A_383 to %scan3A_385 step %scan3A_386 iter_args(%scan3A_395 = %broadcast_in_dim3A_382) -> (vector<16xf32>)  : i32 {
      %shift_right_arithmetic3A = arith.constant 1 : i32
      %shift_right_arithmetic3A_396 = arith.shrsi %scan3A_394, %shift_right_arithmetic3A : i32
      %add3A_397 = arith.constant 24 : i32
      %add3A_398 = arith.addi %add3A_397, %shift_right_arithmetic3A_396 : i32
      %and3A = arith.constant 1 : i32
      %and3A_399 = arith.andi %scan3A_394, %and3A : i32
      %mul3A_400 = arith.constant 64 : i32
      %mul3A_401 = arith.muli %and3A_399, %mul3A_400 : i32
      %get3A_402 = arith.index_cast %add3A_398 : i32 to index
      %get3A_403 = arith.index_cast %mul3A_401 : i32 to index
      %get3A_404 = tpu.vector_load %arg14[%get3A_402, %get3A_403] {strides = array<i32>} : memref<32x128xf32, #tpu.memory_space<vmem>>, vector<16xf32>,
      %add3A_405 = arith.constant 16 : i32
      %add3A_406 = arith.addi %mul3A_401, %add3A_405 : i32
      %get3A_407 = arith.index_cast %add3A_398 : i32 to index
      %get3A_408 = arith.index_cast %add3A_406 : i32 to index
      %get3A_409 = tpu.vector_load %arg14[%get3A_407, %get3A_408] {strides = array<i32>} : memref<32x128xf32, #tpu.memory_space<vmem>>, vector<16xf32>,
      %add3A_410 = arith.constant 32 : i32
      %add3A_411 = arith.addi %mul3A_401, %add3A_410 : i32
      %get3A_412 = arith.index_cast %add3A_398 : i32 to index
      %get3A_413 = arith.index_cast %add3A_411 : i32 to index
      %get3A_414 = tpu.vector_load %arg14[%get3A_412, %get3A_413] {strides = array<i32>} : memref<32x128xf32, #tpu.memory_space<vmem>>, vector<16xf32>,
      %add3A_415 = arith.constant 48 : i32
      %add3A_416 = arith.addi %mul3A_401, %add3A_415 : i32
      %get3A_417 = arith.index_cast %add3A_398 : i32 to index
      %get3A_418 = arith.index_cast %add3A_416 : i32 to index
      %get3A_419 = tpu.vector_load %arg14[%get3A_417, %get3A_418] {strides = array<i32>} : memref<32x128xf32, #tpu.memory_space<vmem>>, vector<16xf32>,
      %sub3A_420 = arith.subf %get3A_404, %get3A_414 : vector<16xf32>
      %sub3A_421 = arith.subf %get3A_409, %get3A_419 : vector<16xf32>
      %sub3A_422 = arith.subf %sub3A_421, %sub3A_420 : vector<16xf32>
      %mul3A_423 = arith.mulf %get3A_380, %sub3A_422 : vector<16xf32>
      %add3A_424 = arith.addf %sub3A_420, %mul3A_423 : vector<16xf32>
      %mul3A_425 = arith.mulf %add3A_424, %add3A_424 : vector<16xf32>
      %add3A_426 = arith.addf %scan3A_395, %mul3A_425 : vector<16xf32>
      scf.yield %add3A_426 : vector<16xf32>
    }
    %scan3A_388 = arith.constant 16 : i32
    %get3A_389 = arith.constant 0 : index
    %get3A_390 = tpu.vector_load %arg16[%get3A_389] {strides = array<i32>} : memref<16xf32, #tpu.memory_space<vmem>>, vector<16xf32>,
    %sub3A_391 = arith.subf %get3A_390, %scan3A_387 : vector<16xf32>
    %swap3A_392 = arith.constant 496 : index
    %swap3A_393 = tpu.vector_load %arg15[%swap3A_392] {strides = array<i32>} : memref<512xf32, #tpu.memory_space<vmem>>, vector<16xf32>,
    tpu.vector_store %arg15[%swap3A_392], %sub3A_391 {strides = array<i32>} : memref<512xf32, #tpu.memory_space<vmem>>, vector<16xf32>,
    "tpu.region"() ({
      %run_scoped3A = tpu.sem_alloc : memref<!tpu.dma_semaphore, #tpu.memory_space<semaphore_mem>>
      %dma_start3A_394 = tpu.memref_slice %arg7[%multiple_of3A] : memref<16384xf32, #tpu.memory_space<hbm>> -> memref<512xf32, #tpu.memory_space<hbm>>
      %dma_start3A_395 = tpu.memref_slice %arg7[%multiple_of3A] : memref<16384xf32, #tpu.memory_space<hbm>> -> memref<512xf32, #tpu.memory_space<hbm>>
      tpu.enqueue_dma source(%arg15 : memref<512xf32, #tpu.memory_space<vmem>>) target(%dma_start3A_395 : memref<512xf32, #tpu.memory_space<hbm>>) target_semaphore(%run_scoped3A : memref<!tpu.dma_semaphore, #tpu.memory_space<semaphore_mem>>)
      %dma_wait3A_396 = tpu.memref_slice %arg7[%multiple_of3A] : memref<16384xf32, #tpu.memory_space<hbm>> -> memref<512xf32, #tpu.memory_space<hbm>>
      %dma_wait3A_397 = tpu.memref_slice %arg7[%multiple_of3A] : memref<16384xf32, #tpu.memory_space<hbm>> -> memref<512xf32, #tpu.memory_space<hbm>>
      tpu.wait_dma2 semaphore(%run_scoped3A : memref<!tpu.dma_semaphore, #tpu.memory_space<semaphore_mem>>) src(%arg15 : memref<512xf32, #tpu.memory_space<vmem>>) dst(%dma_wait3A_397 : memref<512xf32, #tpu.memory_space<hbm>>)
      tpu.yield
    }) : () -> ()
    return
  }
}

</mosaic_0001>

<sc_bundles>
// kernel: kernel.3.cloned.1.call-start
scs
__scs_entry_jumppad:
0x0: {  	(pc) =	sbr.rel $0x88, $3  }
0x1: {  	(tag) =	ssettag $0x0;
	lr =	simm.s32 $0x1  }
0x2: {  	[smem:$0x3F9C] =	sst lr;
	_ =	strace $0xD0000000  }
0x3: {  	_ = 	snop  }
0x4: {  	_ = 	snop  }
0x5: {  	_ = 	snop  }
0x6: {  	_ = 	snop  }
0x7: {  	_ = 	snop  }
__scs_overlays_trampoline_lowered:
0x8: {  	[smem:$0x3FAB] =	sst s0  }
0x9: {  	[smem:$0x3FAC] =	sst s1  }
0xa: {  	[smem:$0x3FAD] =	sst s2  }
0xb: {  	[smem:$0x3FAE] =	sst s3  }
0xc: {  	[smem:$0x3FAF] =	sst s4  }
0xd: {  	[smem:$0x3FB0] =	sst s5  }
0xe: {  	[smem:$0x3FB1] =	sst s6  }
0xf: {  	[smem:$0x3FB2] =	sst s7  }
0x10: {  	[smem:$0x3FB3] =	sst s8  }
0x11: {  	[smem:$0x3FB4] =	sst s9;
	s0 =	simm.s32 @!p0 $0x0  }
0x12: {  	s1 =	sld [smem:$0x3F9A];
	s0 =	simm.s32 @p0 $0x1  }
0x13: {  	[smem:$0x3FB5] =	sst s0;
	s0 =	simm.s32 @!p1 $0x0  }
0x14: {  	s2 =	sld [smem:$0x3F99];
	s0 =	simm.s32 @p1 $0x1  }
0x15: {  	[smem:$0x3FB6] =	sst s0;
	s0 =	simm.s32 @!p2 $0x0  }
0x16: {  	s3 =	sld [smem:$0x3FDB];
	s0 =	simm.s32 @p2 $0x1  }
0x17: {  	s4 =	simm.s32 $0x1BF5;
	[smem:$0x3FB8] =	sst s0  }
0x18: {  	s0 =	sld [smem:$0x3F9B];
	_ =	swait.ge [sflag:s4], $0x0  }
0x19: {  	s7 =	sld [smem:$0x3F9C]  }
0x1a: {  	s8 =	sadd.s32 $0xFFFFE003, lr  }
0x1b: {  	s9 =	sadd.s32 $0xFFFFFEF7, lr;
	s5 =	simm.s32 $0xFFFFFFFF;
	p2 =	slt.u32 s8, $0xFFFFF086  }
0x1c: {  	p1 =	slt.u32 s9, $0xF7A;
	s5 =	simm.s32 @!p2 $0x0  }
0x1d: {  	s5 =	simm.s32 @p1 $0x1;
	p0 =	seq.s32 s7, s2  }
0x1e: {  	s7 =	smul.u32 @!p0 $0xF7A, s2;
	p2 =	seq.s32 @!p0 s5, $0x0  }
0x1f: {  	s9 =	smul.u32 $0xF7A, s1;
	s8 =	simm.s32 @!p0 $0x1BF5;
	p2 =	por !p2, p0  }
0x20: {  	[sflag:s8] =	ssyncset.s32 @!p0 $0xFFFFF086;
	s6 =	sadd.s32 @!p0 s3, s7;
	s7 =	simm.s32 @!p0 $0x108  }
0x21: {  	s3 =	sadd.s32 s3, s9;
	s6 =	sadd.s32 @!p0 $0x88, s6;
	s7 =	simm.s32 @p2 $0x1082  }
0x22: {  	[simem:s7], [sflag:s8] =	dma.local @!p0 [hbm:s6], $0xF7A  }
0x23: {  	s9 =	sor.u32 $0xD0000000, s2;
	s6 =	simm.s32 $0x108;
	_ =	swait.ge @!p0 [sflag:s8], $0x0  }
0x24: {  	s3 =	sadd.s32 $0x88, s3;
	s6 =	simm.s32 @!p1 $0x1082;
	[sflag:s4] =	ssyncset.s32 $0xFFFFF086  }
0x25: {  	[simem:s6], [sflag:s4] =	dma.local [hbm:s3], $0xF7A  }
0x26: {  	[smem:$0x3F9C] =	sst s1;
	(tag) =	ssettag s2;
	_ =	strace s9  }
0x27: {  	s1 =	sld [smem:$0x3FAC]  }
0x28: {  	s2 =	sld [smem:$0x3FAD]  }
0x29: {  	s4 =	sld [smem:$0x3FAF]  }
0x2a: {  	p0 =	seq.s32 s5, $0x0;
	s5 =	sld [smem:$0x3FB0]  }
0x2b: {  	s6 =	sld [smem:$0x3FB1]  }
0x2c: {  	s7 =	sld [smem:$0x3FB2]  }
0x2d: {  	s3 =	simm.s32 $0x108;
	s8 =	sld [smem:$0x3FB3]  }
0x2e: {  	s3 =	simm.s32 @!p0 $0x1082;
	s9 =	sld [smem:$0x3FB4]  }
0x2f: {  	lr =	sadd.s32 s0, s3;
	s0 =	sld [smem:$0x3FAB]  }
0x30: {  	s3 =	sld [smem:$0x3FAE]  }
0x31: {  	[smem:$0x3FB7] =	sst s10  }
0x32: {  	s10 =	sld [smem:$0x3FB5];
	_ =	sdelay $0x3  }
0x33: {  	p0 =	seq.s32 s10, $0x1;
	s10 =	sld [smem:$0x3FB7];
	_ =	sdelay $0x3  }
0x34: {  	[smem:$0x3FB7] =	sst s10  }
0x35: {  	s10 =	sld [smem:$0x3FB6];
	_ =	sdelay $0x3  }
0x36: {  	p1 =	seq.s32 s10, $0x1;
	s10 =	sld [smem:$0x3FB7];
	_ =	sdelay $0x3  }
0x37: {  	[smem:$0x3FB7] =	sst s10  }
0x38: {  	s10 =	sld [smem:$0x3FB8]  }
0x39: {  	_ = 	snop;
	(pc) =	sbr.ind lr, $3  }
0x3a: {  	_ = 	snop  }
0x3b: {  	_ = 	snop  }
0x3c: {  	p2 =	seq.s32 s10, $0x1;
	s10 =	sld [smem:$0x3FB7]  }
0x3d: {  	_ =	shalt  }
0x3e: {  	_ =	shalt  }
0x3f: {  	_ =	shalt  }
0x40: {  	_ =	shalt  }
0x41: {  	_ =	shalt  }
0x42: {  	_ =	shalt  }
0x43: {  	_ =	shalt  }
0x44: {  	_ =	shalt  }
0x45: {  	_ =	shalt  }
0x46: {  	_ =	shalt  }
0x47: {  	_ =	shalt  }
0x48: {  	_ =	shalt  }
0x49: {  	_ =	shalt  }
0x4a: {  	_ =	shalt  }
0x4b: {  	_ =	shalt  }
0x4c: {  	_ =	shalt  }
0x4d: {  	_ =	shalt  }
0x4e: {  	_ =	shalt  }
0x4f: {  	_ =	shalt  }
0x50: {  	_ =	shalt  }
0x51: {  	_ =	shalt  }
0x52: {  	_ =	shalt  }
0x53: {  	_ =	shalt  }
0x54: {  	_ =	shalt  }
0x55: {  	_ =	shalt  }
0x56: {  	_ =	shalt  }
0x57: {  	_ =	shalt  }
0x58: {  	_ =	shalt  }
0x59: {  	_ =	shalt  }
0x5a: {  	_ =	shalt  }
0x5b: {  	_ =	shalt  }
0x5c: {  	_ =	shalt  }
0x5d: {  	_ =	shalt  }
0x5e: {  	_ =	shalt  }
0x5f: {  	_ =	shalt  }
0x60: {  	_ =	shalt  }
0x61: {  	_ =	shalt  }
0x62: {  	_ =	shalt  }
0x63: {  	_ =	shalt  }
0x64: {  	_ =	shalt  }
0x65: {  	_ =	shalt  }
0x66: {  	_ =	shalt  }
0x67: {  	_ =	shalt  }
0x68: {  	_ =	shalt  }
0x69: {  	_ =	shalt  }
0x6a: {  	_ =	shalt  }
0x6b: {  	_ =	shalt  }
0x6c: {  	_ =	shalt  }
0x6d: {  	_ =	shalt  }
0x6e: {  	_ =	shalt  }
0x6f: {  	_ =	shalt  }
0x70: {  	_ =	shalt  }
0x71: {  	_ =	shalt  }
0x72: {  	_ =	shalt  }
0x73: {  	_ =	shalt  }
0x74: {  	_ =	shalt  }
0x75: {  	_ =	shalt  }
0x76: {  	_ =	shalt  }
0x77: {  	_ =	shalt  }
0x78: {  	_ =	shalt  }
0x79: {  	_ =	shalt  }
0x7a: {  	_ =	shalt  }
0x7b: {  	_ =	shalt  }
0x7c: {  	_ =	shalt  }
0x7d: {  	_ =	shalt  }
0x7e: {  	_ =	shalt  }
0x7f: {  	_ =	shalt  }
0x80: {  	_ =	shalt  }
0x81: {  	_ =	shalt  }
0x82: {  	_ =	shalt  }
0x83: {  	_ =	shalt  }
0x84: {  	_ =	shalt  }
0x85: {  	_ =	shalt  }
0x86: {  	_ =	shalt  }
0x87: {  	_ =	shalt  }
.Lfunc_end0:
.L_simem_size_0:
called_computation_lowered:
.L_overlay_start_0:
0x88: {  	s2 =	sld [smem:$0x3FD9]  }
0x89: {  	s3 =	sld [smem:$0x3FFE];
	_ =	sdelay $0x1  }
0x8a: {  	s1 =	srdreg.scid  }
0x8b: {  	s0 =	sand.u32 $0x1, s1  }
0x8c: {  	s17 =	sshll.u32 s0, $0xA;
	s2 =	sadd.s32 s3, s2  }
0x8d: {  	s2 =	sadd.s32 s2, s17  }
0x8e: {  	[smem:$0x3FC3] =	sst s2  }
0x8f: {  	_ = 	snop  }
0x90: {  	s2 =	sld [smem:$0x3FC7]  }
0x91: {  	s18 =	sld [smem:$0x3FC6]  }
0x92: {  	s4 =	sld [smem:$0x3FC5]  }
0x93: {  	s5 =	sld [smem:$0x3FD0];
	(tm) =	ssettm $0x1  }
0x94: {  	s6 =	sld [smem:$0x3FFB];
	_ =	sdelay $0x3  }
0x95: {  	_ =	strace s6  }
0x96: {  	s6 =	sld [smem:$0x3FFC];
	_ =	sdelay $0x3  }
0x97: {  	_ =	strace s6  }
0x98: {  	s6 =	sld [smem:$0x3FFD];
	_ =	sdelay $0x3  }
0x99: {  	_ =	strace s6  }
0x9a: {  	_ =	strace $0x8FFFFFFF  }
0x9b: {  	s19 =	sld [smem:$0x3FDB];
	_ =	sdelay $0x1  }
0x9c: {  	s7 =	simm.s32 $_scs_section_size  }
0x9d: {  	s8 =	simm.s32 $_size__tile_overlayer_lowered;
	s9 =	simm.s32 $_tile_overlayer_lowered  }
0x9e: {  	s22 =	simm.s32 $0x1BFF;
	s21 =	sshll.u32 s9, $0x1;
	s6 =	sadd.s32 s7, s19  }
0x9f: {  	s10 =	simm.s32 $0x0;
	s20 =	sshll.u32 s8, $0x1;
	s8 =	sadd.s32 s21, s6  }
0xa0: {  	[timem:s10], [sflag:s22] =	dma.local [hbm:s8], s20  }
0xa1: {  	_ =	swait.ge [sflag:s22], s20  }
0xa2: {  	s7 =	ssub.s32 $0x0, s20;
	[sflag:s22] =	ssyncset.done $0x0  }
0xa3: {  	[sflag:s22] =	ssyncadd.s32 s7;
	_ =	sdelay $0x1  }
0xa4: {  	s23 =	simm.s32 $0x1B8B  }
0xa5: {  	_ =	swait.ge [sflag:s23], $0x1  }
0xa6: {  	[sflag:s23] =	ssyncset.done $0x0  }
0xa7: {  	s25 =	simm.s32 $0x1B8E;
	s24 =	sld [smem:$0x3FFE];
	[sflag:s23] =	ssyncadd.s32 $0xFFFFFFFF  }
0xa8: {  	s26 =	simm.s32 $execute0_lowered;
	[smem:$0x3FD2] =	sst s25  }
0xa9: {  	s8 =	sshll.u32 s26, $0x1;
	_ =	strace $0x80000046;
	[dreg:$0x1] =	wrdreg $0xFFFFFFFF  }
0xaa: {  	s28 =	simm.s32 $_size_execute0_lowered;
	s6 =	sadd.s32 s6, s8;
	[dreg:$0x0] =	wrdreg $0x0  }
0xab: {  	s8 =	sshll.u32 s28, $0x1;
	[dreg:$0x2] =	wrdreg s6  }
0xac: {  	[dreg:$0x3] =	wrdreg s8  }
0xad: {  	[dreg:$0x4] =	wrdreg $0xC0  }
0xae: {  	_ =	task [dreg:s10], $0x5FFFF  }
0xaf: {  	[dreg:$0x1] =	wrdreg $0xFFFFFFFF  }
0xb0: {  	[dreg:$0x0] =	wrdreg $0x60  }
0xb1: {  	[dreg:$0x2] =	wrdreg s24  }
0xb2: {  	[dreg:$0x3] =	wrdreg s2  }
0xb3: {  	[dreg:$0x4] =	wrdreg s18  }
0xb4: {  	[dreg:$0x5] =	wrdreg s4  }
0xb5: {  	[dreg:$0x6] =	wrdreg s5  }
0xb6: {  	[dreg:$0x7] =	wrdreg $0x9  }
0xb7: {  	_ =	task.clear_ibuf [dreg:s10], $0x8FFFF;
	_ =	strace $0x90000046  }
0xb8: {  	s29 =	simm.s32 $0x9;
	_ =	strace $0x80000048  }
0xb9: {  	_ =	swait.ge [sflag:s29], $0x1  }
0xba: {  	[sflag:s29] =	ssyncadd.s32 $0xFFFFFFFF  }
0xbb: {  	_ =	strace $0x90000048  }
0xbc: {  	_ =	sfence  }
0xbd: {  	s30 =	sld [smem:$0x0];
	_ =	sdelay $0x2  }
0xbe: {  	s31 =	sshll.u32 s1, $0xD;
	s1 =	sshrl.u32 s1, $0x2  }
0xbf: {  	s3 =	sand.u32 $0x4000, s31;
	s1 =	sadd.s32 s1, s30  }
0xc0: {  	s0 =	sor.u32 s3, s0;
	s1 =	sshll.u32 s1, $0x11  }
0xc1: {  	s0 =	sor.u32 s1, s0  }
0xc2: {  	s0 =	sadd.s32 $0x8F2B, s0  }
0xc3: {  	[sflag:s0] =	ssyncadd.remote.s32 $0x1  }
0xc4: {  	_ =	sfence.sel $0xFFFF  }
0xc5: {  	[dreg:$0x0] =	wrdreg $0xFFFFFFFF;
	(pc) =	sbr.abs _section_cstart, $3  }
0xc6: {  	[dreg:$0x1] =	wrdreg $0xFFFFFFFF  }
0xc7: {  	_ =	task.clear_ibuf [dreg:s10], $0x2FFFF;
	_ =	strace $0x9FFFFFFF  }
0xc8: {  	(tm) =	ssettm $0x7FFFFFFF  }
0xc9: {  	_ =	shalt  }
tec
execute0_lowered:
.L_overlay_start_1:
0x0: {  	(tag) =	ssettag $0x1  }
0x1: {  	s0 =	rddreg [dreg:$0x0]  }
0x2: {  	s2 =	rddreg [dreg:$0x1]  }
0x3: {  	s6 =	rddreg [dreg:$0x2]  }
0x4: {  	s7 =	rddreg [dreg:$0x3];
	s1 =	simm.s32 $0x0  }
0x5: {  	[smem:$0x7FF] =	sst s1  }
0x6: {  	s8 =	rddreg [dreg:$0x4];
	v0 =	vimm.f32 $1.999999960e-02;
	_ =	strace $0x80000047  }
0x7: {  	s3 =	srdreg.scid;
	s10 =	stileid.u32;
	s14 =	simm.s32 $0x80;
	(erf) = vrcp.f32 v0  }
0x8: {  	s17 =	simm.s32 $0x1F80;
	s18 =	simm.s32 $0x1000;
	s19 =	simm.s32 $0x2000  }
0x9: {  	s20 =	simm.s32 $0x1080;
	s21 =	simm.s32 $0x2080;
	s22 =	simm.s32 $0x1100  }
0xa: {  	s23 =	simm.s32 $0x2100;
	s24 =	simm.s32 $0x1180;
	s25 =	simm.s32 $0x2180  }
0xb: {  	s26 =	simm.s32 $0x1;
	s28 =	simm.s32 $0x2A00;
	s29 =	simm.s32 $0x0  }
0xc: {  	s4 =	sand.u32 $0x1, s3;
	s3 =	sadd.s32 $0x400, s0;
	s10 =	sshll.u32 s10, $0x7  }
0xd: {  	s5 =	ssub.s32 $0x2, s4;
	s11 =	sshll.u32 s4, $0x6;
	s4 =	sadd.s32 $0x9BA800, s0  }
0xe: {  	s9 =	sshrl.u32 s5, $0x1;
	s31 =	sor.u32 s11, s10;
	s11 =	simm.s32 $0x2  }
0xf: {  	s30 =	ssub.s32 s5, s9;
	s5 =	sadd.s32 s2, s31;
	s6 =	sadd.s32 s6, s31  }
0x10: {  	s7 =	sadd.s32 s7, s31;
	s8 =	sadd.s32 s8, s31;
	s9 =	smax.u32 s30, $0x1;
	v0 =	vpop (erf)  }
.LBB2_1:
0x11: {  	s0 =	simm.s32 $0x2C00  }
0x12: {  	[tilespmem:s0], [sflag:$0x2] =	stream.linear.gather [hbm4b:s4+s1], $0x10, $0x38;
	[tilespmem:$0x2C10] =	vst v63  }
0x13: {  	_ =	swait.ge [sflag:s11], $0x10  }
0x14: {  	[sflag:s11] =	ssyncset.done $0x0  }
0x15: {  	[sflag:s11] =	ssyncadd.s32 $0xFFFFFFF0  }
0x16: {  	[tilespmem:s1], [sflag:$0x2] =	stream.linear.gather [hbm4b:s5+s1], $0x200, $0x38;
	[tilespmem:$0x2C10] =	vst v63  }
0x17: {  	_ =	swait.ge [sflag:s11], $0x200  }
0x18: {  	[sflag:s11] =	ssyncset.done $0x0  }
0x19: {  	s15 =	simm.s32 $0x200;
	[sflag:s11] =	ssyncadd.s32 $0xFFFFFE00  }
0x1a: {  	[tilespmem:s15], [sflag:$0x2] =	stream.linear.gather [hbm4b:s6+s1], $0x200, $0x38;
	[tilespmem:$0x2C10] =	vst v63  }
0x1b: {  	_ =	swait.ge [sflag:s11], $0x200  }
0x1c: {  	[sflag:s11] =	ssyncset.done $0x0  }
0x1d: {  	s16 =	simm.s32 $0x400;
	[sflag:s11] =	ssyncadd.s32 $0xFFFFFE00  }
0x1e: {  	[tilespmem:s16], [sflag:$0x2] =	stream.linear.gather [hbm4b:s7+s1], $0x200, $0x38;
	[tilespmem:$0x2C10] =	vst v63  }
0x1f: {  	_ =	swait.ge [sflag:s11], $0x200  }
0x20: {  	[sflag:s11] =	ssyncset.done $0x0  }
0x21: {  	s31 =	simm.s32 $0x0;
	[sflag:s11] =	ssyncadd.s32 $0xFFFFFE00  }
0x22: {  	v4 =	vld [tilespmem:s31+$0x400];
	_ =	sdelay $0x4  }
0x23: {  	s30 =	simm.s32 $0x10;
	v2 =	vand.u32 $0x7FFFFFFF, v4  }
0x24: {  	v1 =	vld [tilespmem:s30+$0x400];
	v3 =	vmul.f32 v2, v0;
	_ =	sdelay $0x1  }
0x25: {  	v3 =	vfloor.f32 v3  }
0x26: {  	v3 =	vmul.f32 $1.999999960e-02, v3  }
0x27: {  	v5 =	vmul.f32 v4, v0  }
0x28: {  	v6 =	vmul.f32 v1, v0;
	v2 =	vsub.f32 v2, v3  }
0x29: {  	v5 =	vtrunc.f32 v5  }
0x2a: {  	s0 =	simm.s32 $0x20;
	v8 =	vtrunc.f32 v6;
	v3 =	vand.u32 $0x7FFFFFFF, v1;
	vm1 =	veq.f32 v2, $1.999999960e-02  }
0x2b: {  	v5 =	vcvt.f32.s32 v5;
	v7 =	vmul.f32 v3, v0;
	v6 =	vsel vm1, $0x0, v2;
	v2 =	vld [tilespmem:s0+$0x400];
	_ =	sdelay $0x1  }
0x2c: {  	v10 =	vand.u32 $0x80000000, v4;
	vm0 =	vlt.s32 v5, $0x31;
	v7 =	vfloor.f32 v7  }
0x2d: {  	v5 =	vnsel vm0, $0x31, v5;
	v9 =	vand.u32 $0x7FFFFFFF, v6;
	v6 =	vmul.f32 $1.999999960e-02, v7  }
0x2e: {  	s2 =	simm.s32 $0xC0;
	v4 =	vcvt.f32.s32 v8;
	[tilespmem:s31+$0x600] =	vst v5;
	v5 =	vor.u32 v10, v9  }
.LBB2_2:
0x2f: {  	s10 =	sshra.s32 s2, $0x2;
	p0 =	sne.s32 s2, $0x7C0;
	s2 =	sadd.s32 $0x40, s2;
	v6 =	vsub.f32 v3, v6;
	v3 =	vand.u32 $0x7FFFFFFF, v2;
	v5 =	vmul.f32 v5, v0;
	v7 =	vmovc v2  }
.Ltmp0:
0x30: {  	v2 =	vld [tilespmem:s10+$0x400];
	v8 =	vmul.f32 v7, v0;
	v9 =	vmul.f32 v3, v0;
	vm0 =	vlt.s32 v4, $0x31;
	(pc) =	sbr.rel @p0 .LBB2_2-.Ltmp0, $4  }
0x31: {  	v4 =	vnsel vm0, $0x31, v4;
	vm0 =	veq.f32 v6, $1.999999960e-02;
	[tilespmem:s31+$0x800] =	vst v5;
	s31 =	smov.u32 s30;
	s30 =	smov.u32 s0;
	s0 =	smov.u32 s10  }
0x32: {  	v5 =	vtrunc.f32 v8;
	v8 =	vfloor.f32 v9;
	[tilespmem:s31+$0x600] =	vst v4;
	v4 =	vsel vm0, $0x0, v6  }
0x33: {  	v9 =	vand.u32 $0x80000000, v1;
	v1 =	vmovc v7;
	v6 =	vmul.f32 $1.999999960e-02, v8;
	v8 =	vand.u32 $0x7FFFFFFF, v4  }
0x34: {  	v4 =	vcvt.f32.s32 v5;
	v5 =	vor.u32 v9, v8  }
0x35: {  	v7 =	vand.u32 $0x7FFFFFFF, v2  }
0x36: {  	v8 =	vmul.f32 v7, v0;
	_ =	sdelay $0x1  }
0x37: {  	v8 =	vfloor.f32 v8  }
0x38: {  	v3 =	vsub.f32 v3, v6;
	v6 =	vmul.f32 $1.999999960e-02, v8  }
0x39: {  	v5 =	vmul.f32 v5, v0;
	vm0 =	vlt.s32 v4, $0x31  }
0x3a: {  	vm13 =	veq.f32 v3, $1.999999960e-02;
	v8 =	vmul.f32 v2, v0;
	v6 =	vsub.f32 v7, v6  }
0x3b: {  	v1 =	vand.u32 $0x80000000, v1;
	v4 =	vnsel vm0, $0x31, v4;
	v3 =	vsel vm13, $0x0, v3  }
0x3c: {  	v3 =	vand.u32 $0x7FFFFFFF, v3;
	v7 =	vtrunc.f32 v8;
	vm14 =	veq.f32 v6, $1.999999960e-02  }
0x3d: {  	v1 =	vor.u32 v1, v3;
	v7 =	vcvt.f32.s32 v7;
	v3 =	vsel vm14, $0x0, v6  }
0x3e: {  	[tilespmem:s31+$0x800] =	vst v5;
	v2 =	vand.u32 $0x80000000, v2;
	v1 =	vmul.f32 v1, v0;
	v3 =	vand.u32 $0x7FFFFFFF, v3  }
0x3f: {  	[tilespmem:s30+$0x600] =	vst v4;
	vm15 =	vlt.s32 v7, $0x31;
	v2 =	vor.u32 v2, v3  }
0x40: {  	[tilespmem:s30+$0x800] =	vst v1;
	v3 =	vnsel vm15, $0x31, v7;
	v1 =	vmul.f32 v2, v0  }
0x41: {  	[tilespmem:s0+$0x600] =	vst v3  }
0x42: {  	[tilespmem:s0+$0x800] =	vst v1  }
0x43: {  	v1 =	vld [tilespmem:$0x600];
	_ =	sdelay $0x1  }
0x44: {  	v2 =	vld [tilespmem:$0x0]  }
0x45: {  	v4 =	vld [tilespmem:$0x200];
	_ =	sdelay $0x1  }
0x46: {  	v3 =	vmul.u32 $0x186A00, v1;
	_ =	sdelay $0x1  }
0x47: {  	v5 =	vadd.s32 $0x186A00, v3;
	v1 =	vadd.s32 v3, v2  }
0x48: {  	s2 =	simm.s32 $0x0;
	v3 =	vadd.s32 v3, v4;
	v2 =	vadd.s32 v5, v2;
	v4 =	vadd.s32 v5, v4  }
0x49: {  	s10 =	simm.s32 $0x40;
	s12 =	simm.s32 $0x0;
	s0 =	sand.u32 $0x3C0, s2;
	v6 =	vadd.s32 s2, v3;
	v5 =	vadd.s32 s2, v2;
	v7 =	vadd.s32 s2, v4  }
.LBB2_4:
0x4a: {  	p0 =	sne.s32 s10, $0x3C0  }
0x4b: {  	[tilespmem:s0+$0xA30] =	vst v7;
	s2 =	sadd.s32 $0x186A0, s2;
	s13 =	smov.u32 s10;
	s10 =	sadd.s32 $0x40, s10  }
.Ltmp1:
0x4c: {  	v7 =	vadd.s32 s12, v1;
	[tilespmem:s0+$0xA20] =	vst v6;
	s12 =	smov.u32 s2;
	(pc) =	sbr.rel @p0 .LBB2_4-.Ltmp1, $3  }
0x4d: {  	[tilespmem:s0+$0xA10] =	vst v5  }
0x4e: {  	[tilespmem:s0+$0xA00] =	vst v7;
	_ =	sdelay $0x1  }
0x4f: {  	v6 =	vadd.s32 s2, v3;
	v5 =	vadd.s32 s2, v2;
	s0 =	sand.u32 $0x3C0, s13;
	v7 =	vadd.s32 s2, v4  }
0x50: {  	[tilespmem:s0+$0xA30] =	vst v7  }
0x51: {  	[tilespmem:s0+$0xA20] =	vst v6  }
0x52: {  	v1 =	vadd.s32 s12, v1;
	[tilespmem:s0+$0xA10] =	vst v5  }
0x53: {  	s10 =	simm.s32 $0xA00;
	s2 =	simm.s32 $0x1A00;
	[tilespmem:s0+$0xA00] =	vst v1  }
0x54: {  	[tilespmem:s2], [sflag:$0x1] =	stream.indirect.gather [hbm4b:s3+s14], $0x1, s10, s14, $0xb8;
	[tilespmem:$0x2C10] =	vst v63  }
0x55: {  	s12 =	simm.s32 $0xA80;
	s13 =	simm.s32 $0x1A80  }
0x56: {  	[tilespmem:s13], [sflag:$0x1] =	stream.indirect.gather [hbm4b:s3+s14], $0x1, s12, s14, $0xb8;
	[tilespmem:$0x2C10] =	vst v63  }
0x57: {  	s15 =	simm.s32 $0xB00;
	s16 =	simm.s32 $0x1B00  }
0x58: {  	[tilespmem:s16], [sflag:$0x1] =	stream.indirect.gather [hbm4b:s3+s14], $0x1, s15, s14, $0xb8;
	[tilespmem:$0x2C10] =	vst v63  }
0x59: {  	s30 =	simm.s32 $0xB80;
	s31 =	simm.s32 $0x1B80  }
0x5a: {  	[tilespmem:s31], [sflag:$0x1] =	stream.indirect.gather [hbm4b:s3+s14], $0x1, s30, s14, $0xb8;
	[tilespmem:$0x2C10] =	vst v63  }
0x5b: {  	s2 =	simm.s32 $0xC00;
	s10 =	simm.s32 $0x1C00  }
0x5c: {  	[tilespmem:s10], [sflag:$0x1] =	stream.indirect.gather [hbm4b:s3+s14], $0x1, s2, s14, $0xb8;
	[tilespmem:$0x2C10] =	vst v63  }
0x5d: {  	s12 =	simm.s32 $0xC80;
	s13 =	simm.s32 $0x1C80  }
0x5e: {  	[tilespmem:s13], [sflag:$0x1] =	stream.indirect.gather [hbm4b:s3+s14], $0x1, s12, s14, $0xb8;
	[tilespmem:$0x2C10] =	vst v63  }
0x5f: {  	s15 =	simm.s32 $0xD00;
	s16 =	simm.s32 $0x1D00  }
0x60: {  	[tilespmem:s16], [sflag:$0x1] =	stream.indirect.gather [hbm4b:s3+s14], $0x1, s15, s14, $0xb8;
	[tilespmem:$0x2C10] =	vst v63  }
0x61: {  	s30 =	simm.s32 $0xD80;
	s31 =	simm.s32 $0x1D80  }
0x62: {  	[tilespmem:s31], [sflag:$0x1] =	stream.indirect.gather [hbm4b:s3+s14], $0x1, s30, s14, $0xb8;
	[tilespmem:$0x2C10] =	vst v63  }
0x63: {  	v1 =	vld [tilespmem:$0x610];
	_ =	sdelay $0x1  }
0x64: {  	v2 =	vld [tilespmem:$0x10]  }
0x65: {  	v4 =	vld [tilespmem:$0x210];
	_ =	sdelay $0x1  }
0x66: {  	v3 =	vmul.u32 $0x186A00, v1;
	_ =	sdelay $0x1  }
0x67: {  	v5 =	vadd.s32 $0x186A00, v3;
	v1 =	vadd.s32 v3, v2  }
0x68: {  	s2 =	simm.s32 $0x0;
	v3 =	vadd.s32 v3, v4;
	v2 =	vadd.s32 v5, v2;
	v4 =	vadd.s32 v5, v4  }
0x69: {  	s10 =	simm.s32 $0x40;
	s0 =	sand.u32 $0x3C0, s2;
	s12 =	simm.s32 $0x0;
	v6 =	vadd.s32 s2, v3;
	v5 =	vadd.s32 s2, v2;
	v7 =	vadd.s32 s2, v4  }
.LBB2_6:
0x6a: {  	p0 =	sne.s32 s10, $0x3C0  }
0x6b: {  	[tilespmem:s0+$0xE30] =	vst v7;
	s2 =	sadd.s32 $0x186A0, s2;
	s13 =	smov.u32 s10;
	s10 =	sadd.s32 $0x40, s10  }
.Ltmp2:
0x6c: {  	v7 =	vadd.s32 s12, v1;
	[tilespmem:s0+$0xE20] =	vst v6;
	s12 =	smov.u32 s2;
	(pc) =	sbr.rel @p0 .LBB2_6-.Ltmp2, $3  }
0x6d: {  	[tilespmem:s0+$0xE10] =	vst v5  }
0x6e: {  	[tilespmem:s0+$0xE00] =	vst v7;
	_ =	sdelay $0x1  }
0x6f: {  	v6 =	vadd.s32 s2, v3;
	v5 =	vadd.s32 s2, v2;
	s0 =	sand.u32 $0x3C0, s13;
	v7 =	vadd.s32 s2, v4  }
0x70: {  	[tilespmem:s0+$0xE30] =	vst v7  }
0x71: {  	[tilespmem:s0+$0xE20] =	vst v6  }
0x72: {  	v1 =	vadd.s32 s12, v1;
	[tilespmem:s0+$0xE10] =	vst v5  }
0x73: {  	s16 =	simm.s32 $0xE00;
	s2 =	simm.s32 $0x1E00;
	[tilespmem:s0+$0xE00] =	vst v1  }
0x74: {  	[tilespmem:s2], [sflag:$0x1] =	stream.indirect.gather [hbm4b:s3+s14], $0x1, s16, s14, $0xb8;
	[tilespmem:$0x2C10] =	vst v63  }
0x75: {  	s10 =	simm.s32 $0xE80;
	s12 =	simm.s32 $0x1E80  }
0x76: {  	[tilespmem:s12], [sflag:$0x1] =	stream.indirect.gather [hbm4b:s3+s14], $0x1, s10, s14, $0xb8;
	[tilespmem:$0x2C10] =	vst v63  }
0x77: {  	s13 =	simm.s32 $0xF00;
	s15 =	simm.s32 $0x1F00  }
0x78: {  	[tilespmem:s15], [sflag:$0x1] =	stream.indirect.gather [hbm4b:s3+s14], $0x1, s13, s14, $0xb8;
	[tilespmem:$0x2C10] =	vst v63  }
0x79: {  	s16 =	simm.s32 $0xF80  }
0x7a: {  	[tilespmem:s17], [sflag:$0x1] =	stream.indirect.gather [hbm4b:s3+s14], $0x1, s16, s14, $0xb8;
	[tilespmem:$0x2C10] =	vst v63  }
0x7b: {  	_ = 	snop  }
0x7c: {  	[tilespmem:s19], [sflag:$0x1] =	stream.indirect.gather [hbm4b:s3+s14], $0x1, s18, s14, $0xb8;
	[tilespmem:$0x2C10] =	vst v63  }
0x7d: {  	_ = 	snop  }
0x7e: {  	[tilespmem:s21], [sflag:$0x1] =	stream.indirect.gather [hbm4b:s3+s14], $0x1, s20, s14, $0xb8;
	[tilespmem:$0x2C10] =	vst v63  }
0x7f: {  	_ = 	snop  }
0x80: {  	[tilespmem:s23], [sflag:$0x1] =	stream.indirect.gather [hbm4b:s3+s14], $0x1, s22, s14, $0xb8;
	[tilespmem:$0x2C10] =	vst v63  }
0x81: {  	s30 =	simm.s32 $0x0;
	s31 =	simm.s32 $0x0  }
0x82: {  	[tilespmem:s25], [sflag:$0x1] =	stream.indirect.gather [hbm4b:s3+s14], $0x1, s24, s14, $0xb8;
	[tilespmem:$0x2C10] =	vst v63  }
.LBB2_8:
0x83: {  	s0 =	sadd.s32 $0x2, s31  }
0x84: {  	s2 =	sshll.u32 s0, $0x4  }
0x85: {  	v1 =	vld [tilespmem:s2+$0x600];
	_ =	sdelay $0x1  }
0x86: {  	v3 =	vld [tilespmem:s2+$0x0]  }
0x87: {  	v4 =	vld [tilespmem:s2+$0x200]  }
0x88: {  	s0 =	sshll.u32 s0, $0x3  }
0x89: {  	s0 =	sand.u32 $0x18, s0;
	v5 =	vmul.u32 $0x186A00, v1  }
0x8a: {  	s16 =	sadd.s32 $0x0, s0  }
0x8b: {  	s2 =	sshll.u32 s16, $0x7;
	v6 =	vadd.s32 $0x186A00, v5  }
0x8c: {  	s10 =	sand.u32 $0x40, s30;
	s2 =	sand.u32 $0x3FFFFF80, s2;
	v1 =	vadd.s32 v5, v3;
	v2 =	vadd.s32 v6, v4  }
0x8d: {  	s10 =	sor.u32 s10, s2;
	v3 =	vadd.s32 v6, v3;
	v4 =	vadd.s32 v5, v4;
	v8 =	vadd.s32 s30, v2  }
0x8e: {  	s12 =	simm.s32 $0x0;
	s13 =	simm.s32 $0x0;
	s2 =	simm.s32 $0x1;
	v7 =	vadd.s32 s30, v1;
	v6 =	vadd.s32 s30, v3;
	v5 =	vadd.s32 s30, v4;
	[tilespmem:s10+$0xA30] =	vst v8  }
.LBB2_9:
0x8f: {  	s15 =	sshrl.u32 s2, $0x1;
	p0 =	sne.s32 s2, $0xF;
	s2 =	sadd.s32 $0x1, s2;
	[tilespmem:s10+$0xA00] =	vst v7  }
.Ltmp3:
0x90: {  	s15 =	sadd.s32 s0, s15;
	[tilespmem:s10+$0xA10] =	vst v6;
	(pc) =	sbr.rel @p0 .LBB2_9-.Ltmp3, $4  }
0x91: {  	s12 =	sadd.s32 $0x40, s12;
	s15 =	sshll.u32 s15, $0x7;
	[tilespmem:s10+$0xA20] =	vst v5  }
0x92: {  	s13 =	sadd.s32 $0x186A0, s13;
	s10 =	sand.u32 $0x40, s12;
	s15 =	sand.u32 $0x3FFFFF80, s15  }
0x93: {  	v7 =	vadd.s32 s13, v1;
	v6 =	vadd.s32 s13, v3;
	v8 =	vadd.s32 s13, v2;
	s10 =	sor.u32 s10, s15  }
0x94: {  	v5 =	vadd.s32 s13, v4;
	[tilespmem:s10+$0xA30] =	vst v8  }
0x95: {  	[tilespmem:s10+$0xA00] =	vst v7  }
0x96: {  	[tilespmem:s10+$0xA10] =	vst v6;
	s0 =	sshll.u32 s0, $0x7  }
0x97: {  	[tilespmem:s10+$0xA20] =	vst v5;
	s2 =	sadd.s32 $0x1A00, s0;
	s16 =	sadd.s32 $0xA00, s0  }
0x98: {  	[tilespmem:s2], [sflag:$0x1] =	stream.indirect.gather [hbm4b:s3+s14], $0x1, s16, s14, $0xb8;
	[tilespmem:$0x2C10] =	vst v63  }
0x99: {  	s12 =	sadd.s32 $0x1A80, s0;
	s13 =	sadd.s32 $0xA80, s0  }
0x9a: {  	[tilespmem:s12], [sflag:$0x1] =	stream.indirect.gather [hbm4b:s3+s14], $0x1, s13, s14, $0xb8;
	[tilespmem:$0x2C10] =	vst v63  }
0x9b: {  	s15 =	sadd.s32 $0x1B00, s0;
	s16 =	sadd.s32 $0xB00, s0  }
0x9c: {  	[tilespmem:s15], [sflag:$0x1] =	stream.indirect.gather [hbm4b:s3+s14], $0x1, s16, s14, $0xb8;
	[tilespmem:$0x2C10] =	vst v63  }
0x9d: {  	s12 =	sadd.s32 $0x1B80, s0;
	s13 =	sadd.s32 $0xB80, s0  }
0x9e: {  	[tilespmem:s12], [sflag:$0x1] =	stream.indirect.gather [hbm4b:s3+s14], $0x1, s13, s14, $0xb8;
	[tilespmem:$0x2C10] =	vst v63  }
0x9f: {  	s15 =	sadd.s32 $0x1C00, s0;
	s16 =	sadd.s32 $0xC00, s0  }
0xa0: {  	[tilespmem:s15], [sflag:$0x1] =	stream.indirect.gather [hbm4b:s3+s14], $0x1, s16, s14, $0xb8;
	[tilespmem:$0x2C10] =	vst v63  }
0xa1: {  	s12 =	sadd.s32 $0x1C80, s0;
	s13 =	sadd.s32 $0xC80, s0  }
0xa2: {  	[tilespmem:s12], [sflag:$0x1] =	stream.indirect.gather [hbm4b:s3+s14], $0x1, s13, s14, $0xb8;
	[tilespmem:$0x2C10] =	vst v63  }
0xa3: {  	s15 =	sadd.s32 $0x1D00, s0;
	s16 =	sadd.s32 $0xD00, s0  }
0xa4: {  	[tilespmem:s15], [sflag:$0x1] =	stream.indirect.gather [hbm4b:s3+s14], $0x1, s16, s14, $0xb8;
	[tilespmem:$0x2C10] =	vst v63  }
0xa5: {  	s10 =	sadd.s32 $0x1D80, s0;
	s0 =	sadd.s32 $0xD80, s0  }
0xa6: {  	[tilespmem:s10], [sflag:$0x1] =	stream.indirect.gather [hbm4b:s3+s14], $0x1, s0, s14, $0xb8;
	[tilespmem:$0x2C10] =	vst v63  }
0xa7: {  	_ =	swait.ge [sflag:s26], $0x80  }
0xa8: {  	[sflag:s26] =	ssyncset.done $0x0  }
0xa9: {  	[sflag:s26] =	ssyncadd.s32 $0xFFFFFF80  }
0xaa: {  	_ =	swait.ge [sflag:s26], $0x80  }
0xab: {  	[sflag:s26] =	ssyncset.done $0x0  }
0xac: {  	[sflag:s26] =	ssyncadd.s32 $0xFFFFFF80  }
0xad: {  	_ =	swait.ge [sflag:s26], $0x80  }
0xae: {  	[sflag:s26] =	ssyncset.done $0x0  }
0xaf: {  	[sflag:s26] =	ssyncadd.s32 $0xFFFFFF80  }
0xb0: {  	_ =	swait.ge [sflag:s26], $0x80  }
0xb1: {  	[sflag:s26] =	ssyncset.done $0x0  }
0xb2: {  	[sflag:s26] =	ssyncadd.s32 $0xFFFFFF80  }
0xb3: {  	_ =	swait.ge [sflag:s26], $0x80  }
0xb4: {  	[sflag:s26] =	ssyncset.done $0x0  }
0xb5: {  	[sflag:s26] =	ssyncadd.s32 $0xFFFFFF80  }
0xb6: {  	_ =	swait.ge [sflag:s26], $0x80  }
0xb7: {  	[sflag:s26] =	ssyncset.done $0x0  }
0xb8: {  	[sflag:s26] =	ssyncadd.s32 $0xFFFFFF80  }
0xb9: {  	s12 =	sshll.u32 s31, $0x3;
	_ =	swait.ge [sflag:s26], $0x80  }
0xba: {  	s2 =	sand.u32 $0x18, s12;
	[sflag:s26] =	ssyncset.done $0x0  }
0xbb: {  	s0 =	sadd.s32 $0x0, s2;
	[sflag:s26] =	ssyncadd.s32 $0xFFFFFF80  }
0xbc: {  	s13 =	simm.s32 $0x0;
	s0 =	sshll.u32 s0, $0x7;
	_ =	swait.ge [sflag:s26], $0x80  }
0xbd: {  	s10 =	sand.u32 $0x40, s13;
	s0 =	sand.u32 $0x3FFFFF80, s0;
	[sflag:s26] =	ssyncset.done $0x0  }
0xbe: {  	s0 =	sor.u32 s10, s0;
	[sflag:s26] =	ssyncadd.s32 $0xFFFFFF80  }
0xbf: {  	v2 =	vld [tilespmem:s0+$0x1A00]  }
0xc0: {  	s15 =	sadd.s32 $0x0, s2;
	v3 =	vld [tilespmem:s0+$0x1A10]  }
0xc1: {  	s16 =	simm.s32 $0x40;
	s12 =	sshll.u32 s15, $0x7;
	v4 =	vld [tilespmem:s0+$0x1A20]  }
0xc2: {  	s12 =	sand.u32 $0x3FFFFF80, s12;
	s10 =	sand.u32 $0x40, s16;
	v5 =	vld [tilespmem:s0+$0x1A30]  }
0xc3: {  	s12 =	sor.u32 s10, s12  }
0xc4: {  	v7 =	vld [tilespmem:s12+$0x1A00]  }
0xc5: {  	s0 =	sshll.u32 s31, $0x4;
	v8 =	vld [tilespmem:s12+$0x1A10]  }
0xc6: {  	v1 =	vld [tilespmem:s0+$0x800]  }
0xc7: {  	s13 =	sadd.s32 $0x1, s2;
	v2 =	vsub.f32 v2, v4;
	v3 =	vsub.f32 v3, v5;
	v4 =	vld [tilespmem:s12+$0x1A20]  }
0xc8: {  	s13 =	sshll.u32 s13, $0x7;
	s10 =	simm.s32 $0x80;
	v6 =	vld [tilespmem:s12+$0x1A30]  }
0xc9: {  	s13 =	sand.u32 $0x3FFFFF80, s13;
	s15 =	sand.u32 $0x40, s10;
	v9 =	vsub.f32 v3, v2  }
0xca: {  	s13 =	sor.u32 s15, s13  }
0xcb: {  	s12 =	simm.s32 $0x3;
	v5 =	vld [tilespmem:s13+$0x1A00];
	v3 =	vimm.f32 $0.0e+00;
	v9 =	vmul.f32 v9, v1  }
.LBB2_11:
0xcc: {  	s15 =	sshrl.u32 s12, $0x1;
	v10 =	vld [tilespmem:s13+$0x1A10];
	v7 =	vsub.f32 v7, v4;
	p0 =	sne.s32 s12, $0xF  }
.Ltmp4:
0xcd: {  	s10 =	sadd.s32 $0x40, s10;
	s15 =	sadd.s32 s2, s15;
	v4 =	vld [tilespmem:s13+$0x1A20];
	v8 =	vsub.f32 v8, v6;
	v9 =	vadd.f32 v9, v2;
	(pc) =	sbr.rel @p0 .LBB2_11-.Ltmp4, $4  }
0xce: {  	s16 =	sand.u32 $0x40, s10;
	s15 =	sshll.u32 s15, $0x7;
	v6 =	vld [tilespmem:s13+$0x1A30];
	v2 =	vmov v7  }
0xcf: {  	s12 =	sadd.s32 $0x1, s12;
	s13 =	sand.u32 $0x3FFFFF80, s15;
	v12 =	vsub.f32 v8, v2;
	v11 =	vmul.f32 v9, v9  }
0xd0: {  	s13 =	sor.u32 s16, s13;
	v7 =	vmov v5  }
0xd1: {  	v5 =	vld [tilespmem:s13+$0x1A00];
	v9 =	vmul.f32 v12, v1;
	v3 =	vadd.f32 v11, v3;
	v8 =	vmov v10  }
0xd2: {  	v10 =	vld [tilespmem:s13+$0x1A10]  }
0xd3: {  	v11 =	vld [tilespmem:s13+$0x1A20]  }
0xd4: {  	v12 =	vld [tilespmem:s13+$0x1A30];
	_ =	sdelay $0x1  }
0xd5: {  	v4 =	vsub.f32 v7, v4;
	v6 =	vsub.f32 v8, v6;
	_ =	sdelay $0x1  }
0xd6: {  	v6 =	vsub.f32 v6, v4  }
0xd7: {  	v5 =	vsub.f32 v5, v11;
	v62 =	vsub.f32 v10, v12;
	_ =	sdelay $0x1  }
0xd8: {  	v2 =	vadd.f32 v9, v2;
	v6 =	vmul.f32 v6, v1;
	v7 =	vsub.f32 v62, v5;
	_ =	sdelay $0x1  }
0xd9: {  	v2 =	vmul.f32 v2, v2;
	v4 =	vadd.f32 v6, v4;
	v1 =	vmul.f32 v7, v1;
	_ =	sdelay $0x1  }
0xda: {  	v2 =	vadd.f32 v2, v3;
	v3 =	vmul.f32 v4, v4;
	v1 =	vadd.f32 v1, v5  }
0xdb: {  	v63 =	vld [tilespmem:$0x2C00]  }
0xdc: {  	s31 =	sadd.s32 $0x1, s31;
	v2 =	vadd.f32 v3, v2;
	v1 =	vmul.f32 v1, v1  }
0xdd: {  	p0 =	sne.s32 s31, $0x1E  }
.Ltmp5:
0xde: {  	v1 =	vadd.f32 v1, v2;
	(pc) =	sbr.rel @p0 .LBB2_8-.Ltmp5, $3  }
0xdf: {  	_ = 	snop  }
0xe0: {  	v1 =	vsub.f32 v63, v1;
	_ =	sdelay $0x1  }
0xe1: {  	[tilespmem:s0+$0x2A00] =	vst v1  }
0xe2: {  	_ =	swait.ge [sflag:s26], $0x80  }
0xe3: {  	[sflag:s26] =	ssyncset.done $0x0  }
0xe4: {  	[sflag:s26] =	ssyncadd.s32 $0xFFFFFF80  }
0xe5: {  	_ =	swait.ge [sflag:s26], $0x80  }
0xe6: {  	[sflag:s26] =	ssyncset.done $0x0  }
0xe7: {  	[sflag:s26] =	ssyncadd.s32 $0xFFFFFF80  }
0xe8: {  	_ =	swait.ge [sflag:s26], $0x80  }
0xe9: {  	[sflag:s26] =	ssyncset.done $0x0  }
0xea: {  	[sflag:s26] =	ssyncadd.s32 $0xFFFFFF80  }
0xeb: {  	_ =	swait.ge [sflag:s26], $0x80  }
0xec: {  	[sflag:s26] =	ssyncset.done $0x0  }
0xed: {  	[sflag:s26] =	ssyncadd.s32 $0xFFFFFF80  }
0xee: {  	_ =	swait.ge [sflag:s26], $0x80  }
0xef: {  	[sflag:s26] =	ssyncset.done $0x0  }
0xf0: {  	[sflag:s26] =	ssyncadd.s32 $0xFFFFFF80  }
0xf1: {  	_ =	swait.ge [sflag:s26], $0x80  }
0xf2: {  	[sflag:s26] =	ssyncset.done $0x0  }
0xf3: {  	[sflag:s26] =	ssyncadd.s32 $0xFFFFFF80  }
0xf4: {  	_ =	swait.ge [sflag:s26], $0x80  }
0xf5: {  	[sflag:s26] =	ssyncset.done $0x0  }
0xf6: {  	[sflag:s26] =	ssyncadd.s32 $0xFFFFFF80  }
0xf7: {  	_ =	swait.ge [sflag:s26], $0x80  }
0xf8: {  	s0 =	simm.s32 $0x0;
	[sflag:s26] =	ssyncset.done $0x0  }
0xf9: {  	s0 =	sand.u32 $0x3C0, s0;
	[sflag:s26] =	ssyncadd.s32 $0xFFFFFF80  }
0xfa: {  	v2 =	vld [tilespmem:s0+$0x2200]  }
0xfb: {  	v3 =	vld [tilespmem:s0+$0x2210]  }
0xfc: {  	v4 =	vld [tilespmem:s0+$0x2220]  }
0xfd: {  	v5 =	vld [tilespmem:s0+$0x2230]  }
0xfe: {  	s30 =	simm.s32 $0x40  }
0xff: {  	v1 =	vld [tilespmem:$0x9E0];
	s0 =	sand.u32 $0x3C0, s30  }
0x100: {  	v6 =	vld [tilespmem:s0+$0x2200]  }
0x101: {  	v7 =	vld [tilespmem:s0+$0x2210]  }
0x102: {  	v9 =	vld [tilespmem:s0+$0x2230];
	v8 =	vsub.f32 v2, v4;
	v3 =	vsub.f32 v3, v5  }
0x103: {  	v2 =	vld [tilespmem:s0+$0x2220]  }
0x104: {  	s31 =	simm.s32 $0x80;
	v3 =	vsub.f32 v3, v8  }
0x105: {  	s2 =	sand.u32 $0x3C0, s31  }
0x106: {  	v4 =	vld [tilespmem:s2+$0x2200];
	v3 =	vmul.f32 v3, v1  }
0x107: {  	v5 =	vld [tilespmem:s2+$0x2210];
	v9 =	vsub.f32 v7, v9  }
0x108: {  	v2 =	vsub.f32 v6, v2;
	v6 =	vld [tilespmem:s2+$0x2220];
	v8 =	vadd.f32 v3, v8  }
0x109: {  	v7 =	vld [tilespmem:s2+$0x2230]  }
0x10a: {  	s0 =	simm.s32 $0xC0;
	v3 =	vimm.f32 $0.0e+00;
	v9 =	vsub.f32 v9, v2;
	v8 =	vmul.f32 v8, v8  }
.LBB2_14:
0x10b: {  	s2 =	sand.u32 $0x3C0, s0;
	v10 =	vmov v4;
	p0 =	sne.s32 s0, $0x3C0  }
.Ltmp6:
0x10c: {  	v4 =	vld [tilespmem:s2+$0x2200];
	v9 =	vmul.f32 v9, v1;
	v3 =	vadd.f32 v8, v3;
	v8 =	vmov v5;
	(pc) =	sbr.rel @p0 .LBB2_14-.Ltmp6, $4  }
0x10d: {  	v5 =	vld [tilespmem:s2+$0x2210];
	v10 =	vsub.f32 v10, v6  }
0x10e: {  	s0 =	sadd.s32 $0x40, s0;
	v6 =	vld [tilespmem:s2+$0x2220];
	v8 =	vsub.f32 v8, v7;
	v11 =	vadd.f32 v9, v2  }
0x10f: {  	v7 =	vld [tilespmem:s2+$0x2230];
	v2 =	vmov v10  }
0x110: {  	v9 =	vsub.f32 v8, v2;
	v8 =	vmul.f32 v11, v11  }
0x111: {  	_ =	sdelay $0x2  }
0x112: {  	v4 =	vsub.f32 v4, v6;
	v5 =	vsub.f32 v5, v7;
	_ =	sdelay $0x1  }
0x113: {  	v6 =	vmul.f32 v9, v1;
	v5 =	vsub.f32 v5, v4;
	_ =	sdelay $0x1  }
0x114: {  	v2 =	vadd.f32 v6, v2;
	v1 =	vmul.f32 v5, v1;
	_ =	sdelay $0x1  }
0x115: {  	v3 =	vadd.f32 v8, v3;
	v2 =	vmul.f32 v2, v2;
	v1 =	vadd.f32 v1, v4  }
0x116: {  	v4 =	vld [tilespmem:$0x2C00]  }
0x117: {  	v2 =	vadd.f32 v2, v3;
	v1 =	vmul.f32 v1, v1;
	_ =	sdelay $0x1  }
0x118: {  	v1 =	vadd.f32 v1, v2;
	_ =	sdelay $0x1  }
0x119: {  	v1 =	vsub.f32 v4, v1;
	_ =	sdelay $0x1  }
0x11a: {  	[tilespmem:$0x2BE0] =	vst v1  }
0x11b: {  	_ =	swait.ge [sflag:s26], $0x80  }
0x11c: {  	[sflag:s26] =	ssyncset.done $0x0  }
0x11d: {  	[sflag:s26] =	ssyncadd.s32 $0xFFFFFF80  }
0x11e: {  	_ =	swait.ge [sflag:s26], $0x80  }
0x11f: {  	[sflag:s26] =	ssyncset.done $0x0  }
0x120: {  	[sflag:s26] =	ssyncadd.s32 $0xFFFFFF80  }
0x121: {  	_ =	swait.ge [sflag:s26], $0x80  }
0x122: {  	[sflag:s26] =	ssyncset.done $0x0  }
0x123: {  	[sflag:s26] =	ssyncadd.s32 $0xFFFFFF80  }
0x124: {  	_ =	swait.ge [sflag:s26], $0x80  }
0x125: {  	[sflag:s26] =	ssyncset.done $0x0  }
0x126: {  	[sflag:s26] =	ssyncadd.s32 $0xFFFFFF80  }
0x127: {  	_ =	swait.ge [sflag:s26], $0x80  }
0x128: {  	[sflag:s26] =	ssyncset.done $0x0  }
0x129: {  	[sflag:s26] =	ssyncadd.s32 $0xFFFFFF80  }
0x12a: {  	_ =	swait.ge [sflag:s26], $0x80  }
0x12b: {  	[sflag:s26] =	ssyncset.done $0x0  }
0x12c: {  	[sflag:s26] =	ssyncadd.s32 $0xFFFFFF80  }
0x12d: {  	_ =	swait.ge [sflag:s26], $0x80  }
0x12e: {  	[sflag:s26] =	ssyncset.done $0x0  }
0x12f: {  	[sflag:s26] =	ssyncadd.s32 $0xFFFFFF80  }
0x130: {  	_ =	swait.ge [sflag:s26], $0x80  }
0x131: {  	s0 =	simm.s32 $0x0;
	[sflag:s26] =	ssyncset.done $0x0  }
0x132: {  	s0 =	sand.u32 $0x3C0, s0;
	[sflag:s26] =	ssyncadd.s32 $0xFFFFFF80  }
0x133: {  	v2 =	vld [tilespmem:s0+$0x2600]  }
0x134: {  	v3 =	vld [tilespmem:s0+$0x2610]  }
0x135: {  	v4 =	vld [tilespmem:s0+$0x2620]  }
0x136: {  	v5 =	vld [tilespmem:s0+$0x2630]  }
0x137: {  	s30 =	simm.s32 $0x40  }
0x138: {  	v1 =	vld [tilespmem:$0x9F0];
	s0 =	sand.u32 $0x3C0, s30  }
0x139: {  	v6 =	vld [tilespmem:s0+$0x2600]  }
0x13a: {  	v7 =	vld [tilespmem:s0+$0x2610]  }
0x13b: {  	v9 =	vld [tilespmem:s0+$0x2630];
	v8 =	vsub.f32 v2, v4;
	v3 =	vsub.f32 v3, v5  }
0x13c: {  	v2 =	vld [tilespmem:s0+$0x2620]  }
0x13d: {  	s31 =	simm.s32 $0x80;
	v3 =	vsub.f32 v3, v8  }
0x13e: {  	s2 =	sand.u32 $0x3C0, s31  }
0x13f: {  	v4 =	vld [tilespmem:s2+$0x2600];
	v3 =	vmul.f32 v3, v1  }
0x140: {  	v5 =	vld [tilespmem:s2+$0x2610];
	v9 =	vsub.f32 v7, v9  }
0x141: {  	v2 =	vsub.f32 v6, v2;
	v6 =	vld [tilespmem:s2+$0x2620];
	v8 =	vadd.f32 v3, v8  }
0x142: {  	v7 =	vld [tilespmem:s2+$0x2630]  }
0x143: {  	s0 =	simm.s32 $0xC0;
	v3 =	vimm.f32 $0.0e+00;
	v9 =	vsub.f32 v9, v2;
	v8 =	vmul.f32 v8, v8  }
.LBB2_16:
0x144: {  	s2 =	sand.u32 $0x3C0, s0;
	v10 =	vmov v4;
	p0 =	sne.s32 s0, $0x3C0  }
.Ltmp7:
0x145: {  	v4 =	vld [tilespmem:s2+$0x2600];
	v9 =	vmul.f32 v9, v1;
	v3 =	vadd.f32 v8, v3;
	v8 =	vmov v5;
	(pc) =	sbr.rel @p0 .LBB2_16-.Ltmp7, $4  }
0x146: {  	v5 =	vld [tilespmem:s2+$0x2610];
	v10 =	vsub.f32 v10, v6  }
0x147: {  	s0 =	sadd.s32 $0x40, s0;
	v6 =	vld [tilespmem:s2+$0x2620];
	v8 =	vsub.f32 v8, v7;
	v11 =	vadd.f32 v9, v2  }
0x148: {  	v7 =	vld [tilespmem:s2+$0x2630];
	v2 =	vmov v10  }
0x149: {  	v9 =	vsub.f32 v8, v2;
	v8 =	vmul.f32 v11, v11  }
0x14a: {  	_ =	sdelay $0x2  }
0x14b: {  	v4 =	vsub.f32 v4, v6;
	v5 =	vsub.f32 v5, v7;
	_ =	sdelay $0x1  }
0x14c: {  	v62 =	vmul.f32 v9, v1;
	v5 =	vsub.f32 v5, v4;
	_ =	sdelay $0x1  }
0x14d: {  	v2 =	vadd.f32 v62, v2;
	v1 =	vmul.f32 v5, v1;
	_ =	sdelay $0x1  }
0x14e: {  	v3 =	vadd.f32 v8, v3;
	v2 =	vmul.f32 v2, v2;
	v1 =	vadd.f32 v1, v4  }
0x14f: {  	v63 =	vld [tilespmem:$0x2C00]  }
0x150: {  	v2 =	vadd.f32 v2, v3;
	v1 =	vmul.f32 v1, v1;
	_ =	sdelay $0x1  }
0x151: {  	v1 =	vadd.f32 v1, v2;
	_ =	sdelay $0x1  }
0x152: {  	s29 =	sadd.s32 $0x1, s29;
	v1 =	vsub.f32 v63, v1  }
0x153: {  	p0 =	sne.s32 s29, s9  }
.Ltmp8:
0x154: {  	[tilespmem:$0x2BF0] =	vst v1;
	(pc) =	sbr.rel @p0 .LBB2_1-.Ltmp8, $4  }
0x155: {  	[hbm4b:s8+s1] =	stream.linear.scatter [tilespmem:s28], [sflag:$0x2], $0x200, $0x38;
	[tilespmem:$0x2C10] =	vst v63  }
0x156: {  	_ =	swait.ge [sflag:s11], $0x200  }
0x157: {  	[sflag:s11] =	ssyncset.done $0x0  }
0x158: {  	[sflag:s11] =	ssyncadd.s32 $0xFFFFFE00  }
0x159: {  	_ =	sfence.sel $0x180000  }
0x15a: {  	[bflag:$0x0] =	sbarrier.arrive $0xFFFF  }
0x15b: {  	_ =	strace $0x90000047  }
0x15c: {  	s0 =	stileid.u32;
	[bflag:$0x2] =	sbarrier.arrive $0xFFFF  }
0x15d: {  	p0 =	sne.s32 s0, $0x0;
	s0 =	rddreg [dreg:$0x5]  }
0x15e: {  	s0 =	sadd.s32 @!p0 $0x100000, s0  }
0x15f: {  	[sflag:s0] =	ssyncadd.tile.s32 @!p0 $0x1;
	_ =	shalt  }
.Lfunc_end2:
_tile_overlayer_lowered:
.L_overlay_start_2:
0x160: {  	(tag) =	ssettag $0x2  }
0x161: {  	s0 =	rddreg [dreg:$0x0];
	s2 =	stileid.u32  }
0x162: {  	s1 =	rddreg [dreg:$0x1];
	p0 =	sne.s32 s2, $0x0  }
0x163: {  	s3 =	rddreg [dreg:$0x2];
	[bflag:$0x3] =	sbarrier.arrive $0xFFFF;
	s2 =	simm.s32 @!p0 $0x1C02  }
0x164: {  	[timem:s3], [sflag:s2] =	dma.local @!p0 [hbm:s0], s1  }
0x165: {  	s0 =	simm.s32 @!p0 $0x2  }
0x166: {  	_ =	swait.ge @!p0 [sflag:s0], s1  }
0x167: {  	s1 =	ssub.s32 @!p0 $0x0, s1;
	[sflag:s0] =	ssyncset.done @!p0 $0x0  }
0x168: {  	[sflag:s0] =	ssyncadd.s32 @!p0 s1  }
0x169: {  	[bflag:$0x3] =	sbarrier.arrive $0xFFFF  }
0x16a: {  	_ =	shalt  }

</sc_bundles>
